<compile_context>
chip_gen: v7x
topology: tpu7x:2x2x1
jax: 0.10.2.dev20260603
libtpu: 0.0.44.dev20260713+nightly
codegen_flags: <defaults>
</compile_context>

<pallas_src>
import functools

import jax
import jax.numpy as jnp
from jax import lax
from jax.experimental import pallas as pl
from jax.experimental.pallas import tpu as pltpu
from jax.experimental.pallas import tpu_sc as plsc

_NC = 2
_NS = 16
_NW = _NC * _NS
_L = 16

_C = 2048
_CROWS = 4
_NBUF = 4


def _compute_chunk(din_b, dout_b, tab_lo, tab_hi):
    @plsc.parallel_loop(0, _CROWS)
    def _row(r):
        @plsc.parallel_loop(0, _C // _L, unroll=8)
        def _vec(c):
            d = din_b[r, pl.ds(c * _L, _L)]
            idx15 = jnp.minimum(d, 31) & 15
            lo = jnp.take_along_axis(tab_lo, idx15, axis=0)
            hi = jnp.take_along_axis(tab_hi, idx15, axis=0)
            dout_b[r, pl.ds(c * _L, _L)] = jnp.where(d >= _L, hi, lo)


def _sc_lookup(n_rows):
    mesh = plsc.VectorSubcoreMesh(
        core_axis_name="c", subcore_axis_name="s",
        num_cores=_NC, num_subcores=_NS,
    )
    rows_per_w = n_rows // _NW
    n_chunks = rows_per_w // _CROWS

    @functools.partial(
        pl.kernel,
        mesh=mesh,
        out_type=jax.ShapeDtypeStruct((n_rows, _C), jnp.float32),
        scratch_types=[
            pltpu.VMEM((2 * _L,), jnp.float32),
            pltpu.VMEM((_NBUF, _CROWS, _C), jnp.int32),
            pltpu.VMEM((_NBUF, _CROWS, _C), jnp.float32),
        ] + [pltpu.SemaphoreType.DMA] * (2 * _NBUF),
    )
    def body(d_hbm, mat_hbm, out_hbm, tab_v, din_v, dout_v, *sems):
        wid = lax.axis_index("s") * _NC + lax.axis_index("c")
        row0 = wid * rows_per_w
        pltpu.sync_copy(mat_hbm, tab_v)
        tab_lo = tab_v[pl.ds(0, _L)]
        tab_hi = tab_v[pl.ds(_L, _L)]
        isems = sems[:_NBUF]
        osems = sems[_NBUF:]

        def start_in(ci, b):
            pltpu.async_copy(
                d_hbm.at[pl.ds(row0 + ci * _CROWS, _CROWS), :],
                din_v.at[b], isems[b])

        def start_out(ci, b):
            pltpu.async_copy(
                dout_v.at[b],
                out_hbm.at[pl.ds(row0 + ci * _CROWS, _CROWS), :], osems[b])

        def wait_in(ci, b):
            pltpu.make_async_copy(
                d_hbm.at[pl.ds(row0 + ci * _CROWS, _CROWS), :],
                din_v.at[b], isems[b]).wait()

        def wait_out(ci, b):
            pltpu.make_async_copy(
                dout_v.at[b],
                out_hbm.at[pl.ds(row0 + ci * _CROWS, _CROWS), :],
                osems[b]).wait()

        for p in range(_NBUF - 1):
            start_in(p, p)

        @pl.loop(0, n_chunks, step=_NBUF)
        def _outer(ci):
            for b in range(_NBUF):
                cb = ci + b

                @pl.when(cb + _NBUF - 1 < n_chunks)
                def _prefetch():
                    start_in(cb + _NBUF - 1, (b + _NBUF - 1) % _NBUF)

                wait_in(cb, b)

                @pl.when(cb >= _NBUF)
                def _drain():
                    wait_out(cb - _NBUF, b)

                _compute_chunk(din_v.at[b], dout_v.at[b], tab_lo, tab_hi)
                start_out(cb, b)

        for b in range(_NBUF):
            wait_out(n_chunks - _NBUF + b, b)

    return body


def kernel(distance_matrix, mat):
    shape = distance_matrix.shape
    n_rows = shape[0] * shape[1]
    d2 = distance_matrix.reshape(n_rows, shape[2])
    out = _sc_lookup(n_rows)(d2, mat)
    return out.reshape(shape)

# --- scband reference (transcript-rebuilt; emitter-appended) ---
"""Pipeline reference for scband-distance-attention-bias-81913616270029 (READ-ONLY COPY).

The authoritative reference and input builder live on the scoring server;
editing this copy changes nothing except your own understanding.
"""

import math
import jax, jax.numpy as jnp
import numpy as np

CLAMP_VALUE = 30

def setup_inputs(seed: int = 0) -> dict:
    key = jax.random.key(seed)
    distance_matrix = jax.random.randint(key, (4, 2048, 2048), 0, 40, dtype=jnp.int64) if jax.config.jax_enable_x64 else jax.random.randint(key, (4, 2048, 2048), 0, 40, dtype=jnp.int32)
    mat = jnp.asarray(np.array([math.e ** (-i / CLAMP_VALUE ** 0.5) - 1 for i in range(CLAMP_VALUE + 2)], dtype=np.float32))
    return {"distance_matrix": distance_matrix, "mat": mat}

def reference(distance_matrix, mat):
    # distance_matrix[distance_matrix == -1] = clamp_value + 2
    dm = jnp.where(distance_matrix == -1, CLAMP_VALUE + 2, distance_matrix)
    # distance_matrix[distance_matrix > clamp_value] = clamp_value + 1
    dm = jnp.where(dm > CLAMP_VALUE, CLAMP_VALUE + 1, dm)
    # self._mat[distance_matrix]
    return jnp.take(mat, dm, axis=0)

if __name__ == "__main__":
    import jax
    _d = setup_inputs()
    print(jax.jit(kernel)(*tuple(_d.values())))

</pallas_src>

<mosaic_0001>
#map = affine_map<(d0, d1) -> (0, 0)>
#map1 = affine_map<(d0, d1) -> (0)>
module attributes {stable_mosaic.version = 14 : i64} {
  func.func @body(%arg0: i32, %arg1: i32, %arg2: memref<8192x2048xi32, #tpu.memory_space<hbm>>, %arg3: memref<32xf32, #tpu.memory_space<hbm>>, %arg4: memref<8192x2048xf32, #tpu.memory_space<hbm>>, %arg5: memref<32xf32, #tpu.memory_space<vmem>>, %arg6: memref<4x4x2048xi32, #tpu.memory_space<vmem>>, %arg7: memref<4x4x2048xf32, #tpu.memory_space<vmem>>, %arg8: memref<!tpu.dma_semaphore, #tpu.memory_space<semaphore_mem>>, %arg9: memref<!tpu.dma_semaphore, #tpu.memory_space<semaphore_mem>>, %arg10: memref<!tpu.dma_semaphore, #tpu.memory_space<semaphore_mem>>, %arg11: memref<!tpu.dma_semaphore, #tpu.memory_space<semaphore_mem>>, %arg12: memref<!tpu.dma_semaphore, #tpu.memory_space<semaphore_mem>>, %arg13: memref<!tpu.dma_semaphore, #tpu.memory_space<semaphore_mem>>, %arg14: memref<!tpu.dma_semaphore, #tpu.memory_space<semaphore_mem>>, %arg15: memref<!tpu.dma_semaphore, #tpu.memory_space<semaphore_mem>>) attributes {dimension_semantics = [#tpu.dimension_semantics<core_parallel>, #tpu.dimension_semantics<subcore_parallel>], iteration_bounds = array<i64: 2, 16>, scalar_prefetch = 0 : i64, scratch_operands = 11 : i64, tpu.core_type = #tpu.core_type<sc_vector_subcore>, window_params = [{transform_indices = #map}, {transform_indices = #map1}, {transform_indices = #map}]} {
    %mul3A = arith.constant 2 : i32
    %mul3A_0 = arith.muli %arg1, %mul3A : i32
    %add3A = arith.addi %mul3A_0, %arg0 : i32
    %mul3A_1 = arith.constant 256 : i32
    %mul3A_2 = arith.muli %add3A, %mul3A_1 : i32
    "tpu.region"() ({
      %run_scoped3A = tpu.sem_alloc : memref<!tpu.dma_semaphore, #tpu.memory_space<semaphore_mem>>
      tpu.enqueue_dma source(%arg3 : memref<32xf32, #tpu.memory_space<hbm>>) target(%arg5 : memref<32xf32, #tpu.memory_space<vmem>>) target_semaphore(%run_scoped3A : memref<!tpu.dma_semaphore, #tpu.memory_space<semaphore_mem>>)
      tpu.wait_dma2 semaphore(%run_scoped3A : memref<!tpu.dma_semaphore, #tpu.memory_space<semaphore_mem>>) src(%arg3 : memref<32xf32, #tpu.memory_space<hbm>>) dst(%arg5 : memref<32xf32, #tpu.memory_space<vmem>>)
      tpu.yield
    }) : () -> ()
    %get3A = arith.constant 0 : index
    %get3A_3 = tpu.vector_load %arg5[%get3A] {strides = array<i32>} : memref<32xf32, #tpu.memory_space<vmem>>, vector<16xf32>,
    %get3A_4 = vector.shape_cast %get3A_3 : vector<16xf32> to vector<16xf32>
    %get3A_5 = arith.constant 16 : index
    %get3A_6 = tpu.vector_load %arg5[%get3A_5] {strides = array<i32>} : memref<32xf32, #tpu.memory_space<vmem>>, vector<16xf32>,
    %get3A_7 = vector.shape_cast %get3A_6 : vector<16xf32> to vector<16xf32>
    %add3A_8 = arith.constant 0 : i32
    %add3A_9 = arith.addi %mul3A_2, %add3A_8 : i32
    %dma_start3A = arith.constant 0 : i32
    %dma_start3A_10 = arith.constant 0 : i32
    %dma_start3A_11 = arith.constant 0 : i32
    %dma_start3A_12 = tpu.memref_slice %arg6[%dma_start3A, %dma_start3A_10, %dma_start3A_11] : memref<4x4x2048xi32, #tpu.memory_space<vmem>> -> memref<1x4x2048xi32, #tpu.memory_space<vmem>>
    %dma_start3A_13 = tpu.memref_squeeze %dma_start3A_12 : memref<1x4x2048xi32, #tpu.memory_space<vmem>> -> memref<4x2048xi32, #tpu.memory_space<vmem>>
    %dma_start3A_14 = arith.constant 0 : i32
    %dma_start3A_15 = tpu.memref_slice %arg2[%add3A_9, %dma_start3A_14] : memref<8192x2048xi32, #tpu.memory_space<hbm>> -> memref<4x2048xi32, #tpu.memory_space<hbm>>
    %dma_start3A_16 = arith.constant 0 : i32
    %dma_start3A_17 = arith.constant 0 : i32
    %dma_start3A_18 = tpu.memref_slice %arg6[%dma_start3A, %dma_start3A_16, %dma_start3A_17] : memref<4x4x2048xi32, #tpu.memory_space<vmem>> -> memref<1x4x2048xi32, #tpu.memory_space<vmem>>
    %dma_start3A_19 = tpu.memref_squeeze %dma_start3A_18 : memref<1x4x2048xi32, #tpu.memory_space<vmem>> -> memref<4x2048xi32, #tpu.memory_space<vmem>>
    %dma_start3A_20 = arith.constant 0 : i32
    %dma_start3A_21 = tpu.memref_slice %arg2[%add3A_9, %dma_start3A_20] : memref<8192x2048xi32, #tpu.memory_space<hbm>> -> memref<4x2048xi32, #tpu.memory_space<hbm>>
    tpu.enqueue_dma source(%dma_start3A_21 : memref<4x2048xi32, #tpu.memory_space<hbm>>) target(%dma_start3A_19 : memref<4x2048xi32, #tpu.memory_space<vmem>>) target_semaphore(%arg8 : memref<!tpu.dma_semaphore, #tpu.memory_space<semaphore_mem>>)
    %add3A_22 = arith.constant 4 : i32
    %add3A_23 = arith.addi %mul3A_2, %add3A_22 : i32
    %dma_start3A_24 = arith.constant 1 : i32
    %dma_start3A_25 = arith.constant 0 : i32
    %dma_start3A_26 = arith.constant 0 : i32
    %dma_start3A_27 = tpu.memref_slice %arg6[%dma_start3A_24, %dma_start3A_25, %dma_start3A_26] : memref<4x4x2048xi32, #tpu.memory_space<vmem>> -> memref<1x4x2048xi32, #tpu.memory_space<vmem>>
    %dma_start3A_28 = tpu.memref_squeeze %dma_start3A_27 : memref<1x4x2048xi32, #tpu.memory_space<vmem>> -> memref<4x2048xi32, #tpu.memory_space<vmem>>
    %dma_start3A_29 = arith.constant 0 : i32
    %dma_start3A_30 = tpu.memref_slice %arg2[%add3A_23, %dma_start3A_29] : memref<8192x2048xi32, #tpu.memory_space<hbm>> -> memref<4x2048xi32, #tpu.memory_space<hbm>>
    %dma_start3A_31 = arith.constant 0 : i32
    %dma_start3A_32 = arith.constant 0 : i32
    %dma_start3A_33 = tpu.memref_slice %arg6[%dma_start3A_24, %dma_start3A_31, %dma_start3A_32] : memref<4x4x2048xi32, #tpu.memory_space<vmem>> -> memref<1x4x2048xi32, #tpu.memory_space<vmem>>
    %dma_start3A_34 = tpu.memref_squeeze %dma_start3A_33 : memref<1x4x2048xi32, #tpu.memory_space<vmem>> -> memref<4x2048xi32, #tpu.memory_space<vmem>>
    %dma_start3A_35 = arith.constant 0 : i32
    %dma_start3A_36 = tpu.memref_slice %arg2[%add3A_23, %dma_start3A_35] : memref<8192x2048xi32, #tpu.memory_space<hbm>> -> memref<4x2048xi32, #tpu.memory_space<hbm>>
    tpu.enqueue_dma source(%dma_start3A_36 : memref<4x2048xi32, #tpu.memory_space<hbm>>) target(%dma_start3A_34 : memref<4x2048xi32, #tpu.memory_space<vmem>>) target_semaphore(%arg9 : memref<!tpu.dma_semaphore, #tpu.memory_space<semaphore_mem>>)
    %add3A_37 = arith.constant 8 : i32
    %add3A_38 = arith.addi %mul3A_2, %add3A_37 : i32
    %dma_start3A_39 = arith.constant 2 : i32
    %dma_start3A_40 = arith.constant 0 : i32
    %dma_start3A_41 = arith.constant 0 : i32
    %dma_start3A_42 = tpu.memref_slice %arg6[%dma_start3A_39, %dma_start3A_40, %dma_start3A_41] : memref<4x4x2048xi32, #tpu.memory_space<vmem>> -> memref<1x4x2048xi32, #tpu.memory_space<vmem>>
    %dma_start3A_43 = tpu.memref_squeeze %dma_start3A_42 : memref<1x4x2048xi32, #tpu.memory_space<vmem>> -> memref<4x2048xi32, #tpu.memory_space<vmem>>
    %dma_start3A_44 = arith.constant 0 : i32
    %dma_start3A_45 = tpu.memref_slice %arg2[%add3A_38, %dma_start3A_44] : memref<8192x2048xi32, #tpu.memory_space<hbm>> -> memref<4x2048xi32, #tpu.memory_space<hbm>>
    %dma_start3A_46 = arith.constant 0 : i32
    %dma_start3A_47 = arith.constant 0 : i32
    %dma_start3A_48 = tpu.memref_slice %arg6[%dma_start3A_39, %dma_start3A_46, %dma_start3A_47] : memref<4x4x2048xi32, #tpu.memory_space<vmem>> -> memref<1x4x2048xi32, #tpu.memory_space<vmem>>
    %dma_start3A_49 = tpu.memref_squeeze %dma_start3A_48 : memref<1x4x2048xi32, #tpu.memory_space<vmem>> -> memref<4x2048xi32, #tpu.memory_space<vmem>>
    %dma_start3A_50 = arith.constant 0 : i32
    %dma_start3A_51 = tpu.memref_slice %arg2[%add3A_38, %dma_start3A_50] : memref<8192x2048xi32, #tpu.memory_space<hbm>> -> memref<4x2048xi32, #tpu.memory_space<hbm>>
    tpu.enqueue_dma source(%dma_start3A_51 : memref<4x2048xi32, #tpu.memory_space<hbm>>) target(%dma_start3A_49 : memref<4x2048xi32, #tpu.memory_space<vmem>>) target_semaphore(%arg10 : memref<!tpu.dma_semaphore, #tpu.memory_space<semaphore_mem>>)
    %scan3A = arith.constant 0 : i32
    %scan3A_52 = arith.constant 16 : i32
    %scan3A_53 = arith.addi %scan3A, %scan3A_52 : i32
    %scan3A_54 = arith.constant 1 : i32
    scf.for %scan3A_115 = %scan3A to %scan3A_53 step %scan3A_54  : i32 {
      %mul3A_116 = arith.constant 4 : i32
      %mul3A_117 = arith.muli %scan3A_115, %mul3A_116 : i32
      %add3A_118 = arith.constant 0 : i32
      %add3A_119 = arith.addi %add3A_118, %mul3A_117 : i32
      %add3A_120 = arith.constant 0 : i32
      %add3A_121 = arith.addi %add3A_119, %add3A_120 : i32
      %add3A_122 = arith.constant 4 : i32
      %add3A_123 = arith.addi %add3A_121, %add3A_122 : i32
      %sub3A = arith.constant 1 : i32
      %sub3A_124 = arith.subi %add3A_123, %sub3A : i32
      %lt3A = arith.constant 64 : i32
      %lt3A_125 = arith.cmpi slt, %sub3A_124, %lt3A : i32
      %convert_element_type3A = arith.extui %lt3A_125 : i1 to i32
      %cond3A = arith.constant 0 : i32
      %cond3A_126 = arith.cmpi ne, %convert_element_type3A, %cond3A : i32
      scf.if %cond3A_126 {
        %add3A_326 = arith.constant 4 : i32
        %add3A_327 = arith.addi %add3A_121, %add3A_326 : i32
        %sub3A_328 = arith.constant 1 : i32
        %sub3A_329 = arith.subi %add3A_327, %sub3A_328 : i32
        %mul3A_330 = arith.constant 4 : i32
        %mul3A_331 = arith.muli %sub3A_329, %mul3A_330 : i32
        %add3A_332 = arith.addi %mul3A_2, %mul3A_331 : i32
        %dma_start3A_333 = arith.constant 3 : i32
        %dma_start3A_334 = arith.constant 0 : i32
        %dma_start3A_335 = arith.constant 0 : i32
        %dma_start3A_336 = tpu.memref_slice %arg6[%dma_start3A_333, %dma_start3A_334, %dma_start3A_335] : memref<4x4x2048xi32, #tpu.memory_space<vmem>> -> memref<1x4x2048xi32, #tpu.memory_space<vmem>>
        %dma_start3A_337 = tpu.memref_squeeze %dma_start3A_336 : memref<1x4x2048xi32, #tpu.memory_space<vmem>> -> memref<4x2048xi32, #tpu.memory_space<vmem>>
        %dma_start3A_338 = arith.constant 0 : i32
        %dma_start3A_339 = tpu.memref_slice %arg2[%add3A_332, %dma_start3A_338] : memref<8192x2048xi32, #tpu.memory_space<hbm>> -> memref<4x2048xi32, #tpu.memory_space<hbm>>
        %dma_start3A_340 = arith.constant 0 : i32
        %dma_start3A_341 = arith.constant 0 : i32
        %dma_start3A_342 = tpu.memref_slice %arg6[%dma_start3A_333, %dma_start3A_340, %dma_start3A_341] : memref<4x4x2048xi32, #tpu.memory_space<vmem>> -> memref<1x4x2048xi32, #tpu.memory_space<vmem>>
        %dma_start3A_343 = tpu.memref_squeeze %dma_start3A_342 : memref<1x4x2048xi32, #tpu.memory_space<vmem>> -> memref<4x2048xi32, #tpu.memory_space<vmem>>
        %dma_start3A_344 = arith.constant 0 : i32
        %dma_start3A_345 = tpu.memref_slice %arg2[%add3A_332, %dma_start3A_344] : memref<8192x2048xi32, #tpu.memory_space<hbm>> -> memref<4x2048xi32, #tpu.memory_space<hbm>>
        tpu.enqueue_dma source(%dma_start3A_345 : memref<4x2048xi32, #tpu.memory_space<hbm>>) target(%dma_start3A_343 : memref<4x2048xi32, #tpu.memory_space<vmem>>) target_semaphore(%arg11 : memref<!tpu.dma_semaphore, #tpu.memory_space<semaphore_mem>>)
      } else {
      }
      %mul3A_127 = arith.constant 4 : i32
      %mul3A_128 = arith.muli %add3A_121, %mul3A_127 : i32
      %add3A_129 = arith.addi %mul3A_2, %mul3A_128 : i32
      %dma_wait3A_130 = arith.constant 0 : i32
      %dma_wait3A_131 = arith.constant 0 : i32
      %dma_wait3A_132 = arith.constant 0 : i32
      %dma_wait3A_133 = tpu.memref_slice %arg6[%dma_wait3A_130, %dma_wait3A_131, %dma_wait3A_132] : memref<4x4x2048xi32, #tpu.memory_space<vmem>> -> memref<1x4x2048xi32, #tpu.memory_space<vmem>>
      %dma_wait3A_134 = tpu.memref_squeeze %dma_wait3A_133 : memref<1x4x2048xi32, #tpu.memory_space<vmem>> -> memref<4x2048xi32, #tpu.memory_space<vmem>>
      %dma_wait3A_135 = arith.constant 0 : i32
      %dma_wait3A_136 = tpu.memref_slice %arg2[%add3A_129, %dma_wait3A_135] : memref<8192x2048xi32, #tpu.memory_space<hbm>> -> memref<4x2048xi32, #tpu.memory_space<hbm>>
      %dma_wait3A_137 = arith.constant 0 : i32
      %dma_wait3A_138 = arith.constant 0 : i32
      %dma_wait3A_139 = tpu.memref_slice %arg6[%dma_wait3A_130, %dma_wait3A_137, %dma_wait3A_138] : memref<4x4x2048xi32, #tpu.memory_space<vmem>> -> memref<1x4x2048xi32, #tpu.memory_space<vmem>>
      %dma_wait3A_140 = tpu.memref_squeeze %dma_wait3A_139 : memref<1x4x2048xi32, #tpu.memory_space<vmem>> -> memref<4x2048xi32, #tpu.memory_space<vmem>>
      %dma_wait3A_141 = arith.constant 0 : i32
      %dma_wait3A_142 = tpu.memref_slice %arg2[%add3A_129, %dma_wait3A_141] : memref<8192x2048xi32, #tpu.memory_space<hbm>> -> memref<4x2048xi32, #tpu.memory_space<hbm>>
      tpu.wait_dma2 semaphore(%arg8 : memref<!tpu.dma_semaphore, #tpu.memory_space<semaphore_mem>>) src(%dma_wait3A_142 : memref<4x2048xi32, #tpu.memory_space<hbm>>) dst(%dma_wait3A_140 : memref<4x2048xi32, #tpu.memory_space<vmem>>)
      %ge3A = arith.constant 4 : i32
      %ge3A_143 = arith.cmpi sge, %add3A_121, %ge3A : i32
      %convert_element_type3A_144 = arith.extui %ge3A_143 : i1 to i32
      %cond3A_145 = arith.constant 0 : i32
      %cond3A_146 = arith.cmpi ne, %convert_element_type3A_144, %cond3A_145 : i32
      scf.if %cond3A_146 {
        %sub3A_326 = arith.constant 4 : i32
        %sub3A_327 = arith.subi %add3A_121, %sub3A_326 : i32
        %mul3A_328 = arith.constant 4 : i32
        %mul3A_329 = arith.muli %sub3A_327, %mul3A_328 : i32
        %add3A_330 = arith.addi %mul3A_2, %mul3A_329 : i32
        %dma_wait3A_331 = arith.constant 0 : i32
        %dma_wait3A_332 = arith.constant 0 : i32
        %dma_wait3A_333 = arith.constant 0 : i32
        %dma_wait3A_334 = tpu.memref_slice %arg7[%dma_wait3A_331, %dma_wait3A_332, %dma_wait3A_333] : memref<4x4x2048xf32, #tpu.memory_space<vmem>> -> memref<1x4x2048xf32, #tpu.memory_space<vmem>>
        %dma_wait3A_335 = tpu.memref_squeeze %dma_wait3A_334 : memref<1x4x2048xf32, #tpu.memory_space<vmem>> -> memref<4x2048xf32, #tpu.memory_space<vmem>>
        %dma_wait3A_336 = arith.constant 0 : i32
        %dma_wait3A_337 = tpu.memref_slice %arg4[%add3A_330, %dma_wait3A_336] : memref<8192x2048xf32, #tpu.memory_space<hbm>> -> memref<4x2048xf32, #tpu.memory_space<hbm>>
        %dma_wait3A_338 = arith.constant 0 : i32
        %dma_wait3A_339 = tpu.memref_slice %arg4[%add3A_330, %dma_wait3A_338] : memref<8192x2048xf32, #tpu.memory_space<hbm>> -> memref<4x2048xf32, #tpu.memory_space<hbm>>
        %dma_wait3A_340 = arith.constant 0 : i32
        %dma_wait3A_341 = arith.constant 0 : i32
        %dma_wait3A_342 = tpu.memref_slice %arg7[%dma_wait3A_331, %dma_wait3A_340, %dma_wait3A_341] : memref<4x4x2048xf32, #tpu.memory_space<vmem>> -> memref<1x4x2048xf32, #tpu.memory_space<vmem>>
        %dma_wait3A_343 = tpu.memref_squeeze %dma_wait3A_342 : memref<1x4x2048xf32, #tpu.memory_space<vmem>> -> memref<4x2048xf32, #tpu.memory_space<vmem>>
        tpu.wait_dma2 semaphore(%arg12 : memref<!tpu.dma_semaphore, #tpu.memory_space<semaphore_mem>>) src(%dma_wait3A_343 : memref<4x2048xf32, #tpu.memory_space<vmem>>) dst(%dma_wait3A_339 : memref<4x2048xf32, #tpu.memory_space<hbm>>)
      } else {
      }
      %parallel_loop3A = arith.constant 0 : i32
      %parallel_loop3A_147 = arith.constant 4 : i32
      %parallel_loop3A_148 = arith.constant 1 : i32
      %parallel_loop3A_149 = arith.constant 0 : i32
      %parallel_loop3A_150 = arith.constant 0 : i32
      scf.for %parallel_loop3A_326 = %parallel_loop3A to %parallel_loop3A_147 step %parallel_loop3A_148  : i32 {
        %parallel_loop3A_327 = arith.constant 0 : i32
        %parallel_loop3A_328 = arith.constant 128 : i32
        %parallel_loop3A_329 = arith.constant 1 : i32
        scf.for %parallel_loop3A_330 = %parallel_loop3A_327 to %parallel_loop3A_328 step %parallel_loop3A_329  : i32 {
          %parallel_loop3A_331 = arith.constant 16 : i32
          %parallel_loop3A_332 = arith.muli %parallel_loop3A_330, %parallel_loop3A_331 : i32
          %parallel_loop3A_333 = arith.constant 0 : i32
          %parallel_loop3A_334 = arith.constant 0 : i32
          %parallel_loop3A_335 = tpu.memref_slice %arg6[%parallel_loop3A_149, %parallel_loop3A_333, %parallel_loop3A_334] : memref<4x4x2048xi32, #tpu.memory_space<vmem>> -> memref<1x4x2048xi32, #tpu.memory_space<vmem>>
          %parallel_loop3A_336 = tpu.memref_squeeze %parallel_loop3A_335 : memref<1x4x2048xi32, #tpu.memory_space<vmem>> -> memref<4x2048xi32, #tpu.memory_space<vmem>>
          %parallel_loop3A_337 = arith.index_cast %parallel_loop3A_326 : i32 to index
          %parallel_loop3A_338 = arith.index_cast %parallel_loop3A_332 : i32 to index
          %parallel_loop3A_339 = tpu.vector_load %parallel_loop3A_336[%parallel_loop3A_337, %parallel_loop3A_338] {strides = array<i32>} : memref<4x2048xi32, #tpu.memory_space<vmem>>, vector<1x16xi32>,
          %parallel_loop3A_340 = vector.shape_cast %parallel_loop3A_339 : vector<1x16xi32> to vector<16xi32>
          %parallel_loop3A_341 = arith.constant 31 : i32
          %parallel_loop3A_342 = vector.broadcast %parallel_loop3A_341 : i32 to vector<16xi32>
          %parallel_loop3A_343 = arith.minsi %parallel_loop3A_340, %parallel_loop3A_342 : vector<16xi32>
          %parallel_loop3A_344 = arith.constant 15 : i32
          %parallel_loop3A_345 = vector.broadcast %parallel_loop3A_344 : i32 to vector<16xi32>
          %parallel_loop3A_346 = arith.andi %parallel_loop3A_343, %parallel_loop3A_345 : vector<16xi32>
          %parallel_loop3A_347 = arith.constant 0 : i32
          %parallel_loop3A_348 = vector.broadcast %parallel_loop3A_347 : i32 to vector<16xi32>
          %parallel_loop3A_349 = arith.cmpi slt, %parallel_loop3A_346, %parallel_loop3A_348 : vector<16xi32>
          %parallel_loop3A_350 = arith.constant 16 : i32
          %parallel_loop3A_351 = vector.broadcast %parallel_loop3A_350 : i32 to vector<16xi32>
          %parallel_loop3A_352 = arith.addi %parallel_loop3A_346, %parallel_loop3A_351 : vector<16xi32>
          %parallel_loop3A_353 = arith.select %parallel_loop3A_349, %parallel_loop3A_352, %parallel_loop3A_346 : vector<16xi1>, vector<16xi32>
          %parallel_loop3A_354 = vector.shape_cast %parallel_loop3A_353 : vector<16xi32> to vector<16x1xi32>
          %parallel_loop3A_355 = vector.shape_cast %parallel_loop3A_354 : vector<16x1xi32> to vector<16xi32>
          %parallel_loop3A_356 = tpu.dynamic_gather %get3A_4[%parallel_loop3A_355] in [0] : vector<16xf32>, vector<16xi32> -> vector<16xf32>
          %parallel_loop3A_357 = arith.constant 0 : i32
          %parallel_loop3A_358 = vector.broadcast %parallel_loop3A_357 : i32 to vector<16xi32>
          %parallel_loop3A_359 = arith.cmpi slt, %parallel_loop3A_346, %parallel_loop3A_358 : vector<16xi32>
          %parallel_loop3A_360 = arith.constant 16 : i32
          %parallel_loop3A_361 = vector.broadcast %parallel_loop3A_360 : i32 to vector<16xi32>
          %parallel_loop3A_362 = arith.addi %parallel_loop3A_346, %parallel_loop3A_361 : vector<16xi32>
          %parallel_loop3A_363 = arith.select %parallel_loop3A_359, %parallel_loop3A_362, %parallel_loop3A_346 : vector<16xi1>, vector<16xi32>
          %parallel_loop3A_364 = vector.shape_cast %parallel_loop3A_363 : vector<16xi32> to vector<16x1xi32>
          %parallel_loop3A_365 = vector.shape_cast %parallel_loop3A_364 : vector<16x1xi32> to vector<16xi32>
          %parallel_loop3A_366 = tpu.dynamic_gather %get3A_7[%parallel_loop3A_365] in [0] : vector<16xf32>, vector<16xi32> -> vector<16xf32>
          %parallel_loop3A_367 = arith.constant 16 : i32
          %parallel_loop3A_368 = vector.broadcast %parallel_loop3A_367 : i32 to vector<16xi32>
          %parallel_loop3A_369 = arith.cmpi sge, %parallel_loop3A_340, %parallel_loop3A_368 : vector<16xi32>
          %parallel_loop3A_370 = arith.select %parallel_loop3A_369, %parallel_loop3A_366, %parallel_loop3A_356 : vector<16xi1>, vector<16xf32>
          %parallel_loop3A_371 = arith.constant 16 : i32
          %parallel_loop3A_372 = arith.muli %parallel_loop3A_330, %parallel_loop3A_371 : i32
          %parallel_loop3A_373 = arith.constant 0 : i32
          %parallel_loop3A_374 = arith.constant 0 : i32
          %parallel_loop3A_375 = tpu.memref_slice %arg7[%parallel_loop3A_150, %parallel_loop3A_373, %parallel_loop3A_374] : memref<4x4x2048xf32, #tpu.memory_space<vmem>> -> memref<1x4x2048xf32, #tpu.memory_space<vmem>>
          %parallel_loop3A_376 = tpu.memref_squeeze %parallel_loop3A_375 : memref<1x4x2048xf32, #tpu.memory_space<vmem>> -> memref<4x2048xf32, #tpu.memory_space<vmem>>
          %parallel_loop3A_377 = arith.index_cast %parallel_loop3A_326 : i32 to index
          %parallel_loop3A_378 = arith.index_cast %parallel_loop3A_372 : i32 to index
          %parallel_loop3A_379 = tpu.vector_load %parallel_loop3A_376[%parallel_loop3A_377, %parallel_loop3A_378] {strides = array<i32>} : memref<4x2048xf32, #tpu.memory_space<vmem>>, vector<1x16xf32>,
          %parallel_loop3A_380 = vector.shape_cast %parallel_loop3A_379 : vector<1x16xf32> to vector<16xf32>
          %parallel_loop3A_381 = vector.shape_cast %parallel_loop3A_370 : vector<16xf32> to vector<1x16xf32>
          tpu.vector_store %parallel_loop3A_376[%parallel_loop3A_377, %parallel_loop3A_378], %parallel_loop3A_381 {strides = array<i32>} : memref<4x2048xf32, #tpu.memory_space<vmem>>, vector<1x16xf32>,
        } {sc.loop_unroll_factor = 8 : i64, sc.parallel_access}
      } {sc.loop_unroll_factor = 1 : i64, sc.parallel_access}
      %mul3A_151 = arith.constant 4 : i32
      %mul3A_152 = arith.muli %add3A_121, %mul3A_151 : i32
      %add3A_153 = arith.addi %mul3A_2, %mul3A_152 : i32
      %dma_start3A_154 = arith.constant 0 : i32
      %dma_start3A_155 = arith.constant 0 : i32
      %dma_start3A_156 = arith.constant 0 : i32
      %dma_start3A_157 = tpu.memref_slice %arg7[%dma_start3A_154, %dma_start3A_155, %dma_start3A_156] : memref<4x4x2048xf32, #tpu.memory_space<vmem>> -> memref<1x4x2048xf32, #tpu.memory_space<vmem>>
      %dma_start3A_158 = tpu.memref_squeeze %dma_start3A_157 : memref<1x4x2048xf32, #tpu.memory_space<vmem>> -> memref<4x2048xf32, #tpu.memory_space<vmem>>
      %dma_start3A_159 = arith.constant 0 : i32
      %dma_start3A_160 = tpu.memref_slice %arg4[%add3A_153, %dma_start3A_159] : memref<8192x2048xf32, #tpu.memory_space<hbm>> -> memref<4x2048xf32, #tpu.memory_space<hbm>>
      %dma_start3A_161 = arith.constant 0 : i32
      %dma_start3A_162 = tpu.memref_slice %arg4[%add3A_153, %dma_start3A_161] : memref<8192x2048xf32, #tpu.memory_space<hbm>> -> memref<4x2048xf32, #tpu.memory_space<hbm>>
      %dma_start3A_163 = arith.constant 0 : i32
      %dma_start3A_164 = arith.constant 0 : i32
      %dma_start3A_165 = tpu.memref_slice %arg7[%dma_start3A_154, %dma_start3A_163, %dma_start3A_164] : memref<4x4x2048xf32, #tpu.memory_space<vmem>> -> memref<1x4x2048xf32, #tpu.memory_space<vmem>>
      %dma_start3A_166 = tpu.memref_squeeze %dma_start3A_165 : memref<1x4x2048xf32, #tpu.memory_space<vmem>> -> memref<4x2048xf32, #tpu.memory_space<vmem>>
      tpu.enqueue_dma source(%dma_start3A_166 : memref<4x2048xf32, #tpu.memory_space<vmem>>) target(%dma_start3A_162 : memref<4x2048xf32, #tpu.memory_space<hbm>>) target_semaphore(%arg12 : memref<!tpu.dma_semaphore, #tpu.memory_space<semaphore_mem>>)
      %add3A_167 = arith.constant 1 : i32
      %add3A_168 = arith.addi %add3A_119, %add3A_167 : i32
      %add3A_169 = arith.constant 4 : i32
      %add3A_170 = arith.addi %add3A_168, %add3A_169 : i32
      %sub3A_171 = arith.constant 1 : i32
      %sub3A_172 = arith.subi %add3A_170, %sub3A_171 : i32
      %lt3A_173 = arith.constant 64 : i32
      %lt3A_174 = arith.cmpi slt, %sub3A_172, %lt3A_173 : i32
      %convert_element_type3A_175 = arith.extui %lt3A_174 : i1 to i32
      %cond3A_176 = arith.constant 0 : i32
      %cond3A_177 = arith.cmpi ne, %convert_element_type3A_175, %cond3A_176 : i32
      scf.if %cond3A_177 {
        %add3A_326 = arith.constant 4 : i32
        %add3A_327 = arith.addi %add3A_168, %add3A_326 : i32
        %sub3A_328 = arith.constant 1 : i32
        %sub3A_329 = arith.subi %add3A_327, %sub3A_328 : i32
        %mul3A_330 = arith.constant 4 : i32
        %mul3A_331 = arith.muli %sub3A_329, %mul3A_330 : i32
        %add3A_332 = arith.addi %mul3A_2, %mul3A_331 : i32
        %dma_start3A_333 = arith.constant 0 : i32
        %dma_start3A_334 = arith.constant 0 : i32
        %dma_start3A_335 = arith.constant 0 : i32
        %dma_start3A_336 = tpu.memref_slice %arg6[%dma_start3A_333, %dma_start3A_334, %dma_start3A_335] : memref<4x4x2048xi32, #tpu.memory_space<vmem>> -> memref<1x4x2048xi32, #tpu.memory_space<vmem>>
        %dma_start3A_337 = tpu.memref_squeeze %dma_start3A_336 : memref<1x4x2048xi32, #tpu.memory_space<vmem>> -> memref<4x2048xi32, #tpu.memory_space<vmem>>
        %dma_start3A_338 = arith.constant 0 : i32
        %dma_start3A_339 = tpu.memref_slice %arg2[%add3A_332, %dma_start3A_338] : memref<8192x2048xi32, #tpu.memory_space<hbm>> -> memref<4x2048xi32, #tpu.memory_space<hbm>>
        %dma_start3A_340 = arith.constant 0 : i32
        %dma_start3A_341 = arith.constant 0 : i32
        %dma_start3A_342 = tpu.memref_slice %arg6[%dma_start3A_333, %dma_start3A_340, %dma_start3A_341] : memref<4x4x2048xi32, #tpu.memory_space<vmem>> -> memref<1x4x2048xi32, #tpu.memory_space<vmem>>
        %dma_start3A_343 = tpu.memref_squeeze %dma_start3A_342 : memref<1x4x2048xi32, #tpu.memory_space<vmem>> -> memref<4x2048xi32, #tpu.memory_space<vmem>>
        %dma_start3A_344 = arith.constant 0 : i32
        %dma_start3A_345 = tpu.memref_slice %arg2[%add3A_332, %dma_start3A_344] : memref<8192x2048xi32, #tpu.memory_space<hbm>> -> memref<4x2048xi32, #tpu.memory_space<hbm>>
        tpu.enqueue_dma source(%dma_start3A_345 : memref<4x2048xi32, #tpu.memory_space<hbm>>) target(%dma_start3A_343 : memref<4x2048xi32, #tpu.memory_space<vmem>>) target_semaphore(%arg8 : memref<!tpu.dma_semaphore, #tpu.memory_space<semaphore_mem>>)
      } else {
      }
      %mul3A_178 = arith.constant 4 : i32
      %mul3A_179 = arith.muli %add3A_168, %mul3A_178 : i32
      %add3A_180 = arith.addi %mul3A_2, %mul3A_179 : i32
      %dma_wait3A_181 = arith.constant 1 : i32
      %dma_wait3A_182 = arith.constant 0 : i32
      %dma_wait3A_183 = arith.constant 0 : i32
      %dma_wait3A_184 = tpu.memref_slice %arg6[%dma_wait3A_181, %dma_wait3A_182, %dma_wait3A_183] : memref<4x4x2048xi32, #tpu.memory_space<vmem>> -> memref<1x4x2048xi32, #tpu.memory_space<vmem>>
      %dma_wait3A_185 = tpu.memref_squeeze %dma_wait3A_184 : memref<1x4x2048xi32, #tpu.memory_space<vmem>> -> memref<4x2048xi32, #tpu.memory_space<vmem>>
      %dma_wait3A_186 = arith.constant 0 : i32
      %dma_wait3A_187 = tpu.memref_slice %arg2[%add3A_180, %dma_wait3A_186] : memref<8192x2048xi32, #tpu.memory_space<hbm>> -> memref<4x2048xi32, #tpu.memory_space<hbm>>
      %dma_wait3A_188 = arith.constant 0 : i32
      %dma_wait3A_189 = arith.constant 0 : i32
      %dma_wait3A_190 = tpu.memref_slice %arg6[%dma_wait3A_181, %dma_wait3A_188, %dma_wait3A_189] : memref<4x4x2048xi32, #tpu.memory_space<vmem>> -> memref<1x4x2048xi32, #tpu.memory_space<vmem>>
      %dma_wait3A_191 = tpu.memref_squeeze %dma_wait3A_190 : memref<1x4x2048xi32, #tpu.memory_space<vmem>> -> memref<4x2048xi32, #tpu.memory_space<vmem>>
      %dma_wait3A_192 = arith.constant 0 : i32
      %dma_wait3A_193 = tpu.memref_slice %arg2[%add3A_180, %dma_wait3A_192] : memref<8192x2048xi32, #tpu.memory_space<hbm>> -> memref<4x2048xi32, #tpu.memory_space<hbm>>
      tpu.wait_dma2 semaphore(%arg9 : memref<!tpu.dma_semaphore, #tpu.memory_space<semaphore_mem>>) src(%dma_wait3A_193 : memref<4x2048xi32, #tpu.memory_space<hbm>>) dst(%dma_wait3A_191 : memref<4x2048xi32, #tpu.memory_space<vmem>>)
      %ge3A_194 = arith.constant 4 : i32
      %ge3A_195 = arith.cmpi sge, %add3A_168, %ge3A_194 : i32
      %convert_element_type3A_196 = arith.extui %ge3A_195 : i1 to i32
      %cond3A_197 = arith.constant 0 : i32
      %cond3A_198 = arith.cmpi ne, %convert_element_type3A_196, %cond3A_197 : i32
      scf.if %cond3A_198 {
        %sub3A_326 = arith.constant 4 : i32
        %sub3A_327 = arith.subi %add3A_168, %sub3A_326 : i32
        %mul3A_328 = arith.constant 4 : i32
        %mul3A_329 = arith.muli %sub3A_327, %mul3A_328 : i32
        %add3A_330 = arith.addi %mul3A_2, %mul3A_329 : i32
        %dma_wait3A_331 = arith.constant 1 : i32
        %dma_wait3A_332 = arith.constant 0 : i32
        %dma_wait3A_333 = arith.constant 0 : i32
        %dma_wait3A_334 = tpu.memref_slice %arg7[%dma_wait3A_331, %dma_wait3A_332, %dma_wait3A_333] : memref<4x4x2048xf32, #tpu.memory_space<vmem>> -> memref<1x4x2048xf32, #tpu.memory_space<vmem>>
        %dma_wait3A_335 = tpu.memref_squeeze %dma_wait3A_334 : memref<1x4x2048xf32, #tpu.memory_space<vmem>> -> memref<4x2048xf32, #tpu.memory_space<vmem>>
        %dma_wait3A_336 = arith.constant 0 : i32
        %dma_wait3A_337 = tpu.memref_slice %arg4[%add3A_330, %dma_wait3A_336] : memref<8192x2048xf32, #tpu.memory_space<hbm>> -> memref<4x2048xf32, #tpu.memory_space<hbm>>
        %dma_wait3A_338 = arith.constant 0 : i32
        %dma_wait3A_339 = tpu.memref_slice %arg4[%add3A_330, %dma_wait3A_338] : memref<8192x2048xf32, #tpu.memory_space<hbm>> -> memref<4x2048xf32, #tpu.memory_space<hbm>>
        %dma_wait3A_340 = arith.constant 0 : i32
        %dma_wait3A_341 = arith.constant 0 : i32
        %dma_wait3A_342 = tpu.memref_slice %arg7[%dma_wait3A_331, %dma_wait3A_340, %dma_wait3A_341] : memref<4x4x2048xf32, #tpu.memory_space<vmem>> -> memref<1x4x2048xf32, #tpu.memory_space<vmem>>
        %dma_wait3A_343 = tpu.memref_squeeze %dma_wait3A_342 : memref<1x4x2048xf32, #tpu.memory_space<vmem>> -> memref<4x2048xf32, #tpu.memory_space<vmem>>
        tpu.wait_dma2 semaphore(%arg13 : memref<!tpu.dma_semaphore, #tpu.memory_space<semaphore_mem>>) src(%dma_wait3A_343 : memref<4x2048xf32, #tpu.memory_space<vmem>>) dst(%dma_wait3A_339 : memref<4x2048xf32, #tpu.memory_space<hbm>>)
      } else {
      }
      %parallel_loop3A_199 = arith.constant 0 : i32
      %parallel_loop3A_200 = arith.constant 4 : i32
      %parallel_loop3A_201 = arith.constant 1 : i32
      %parallel_loop3A_202 = arith.constant 1 : i32
      %parallel_loop3A_203 = arith.constant 1 : i32
      scf.for %parallel_loop3A_326 = %parallel_loop3A_199 to %parallel_loop3A_200 step %parallel_loop3A_201  : i32 {
        %parallel_loop3A_327 = arith.constant 0 : i32
        %parallel_loop3A_328 = arith.constant 128 : i32
        %parallel_loop3A_329 = arith.constant 1 : i32
        scf.for %parallel_loop3A_330 = %parallel_loop3A_327 to %parallel_loop3A_328 step %parallel_loop3A_329  : i32 {
          %parallel_loop3A_331 = arith.constant 16 : i32
          %parallel_loop3A_332 = arith.muli %parallel_loop3A_330, %parallel_loop3A_331 : i32
          %parallel_loop3A_333 = arith.constant 0 : i32
          %parallel_loop3A_334 = arith.constant 0 : i32
          %parallel_loop3A_335 = tpu.memref_slice %arg6[%parallel_loop3A_202, %parallel_loop3A_333, %parallel_loop3A_334] : memref<4x4x2048xi32, #tpu.memory_space<vmem>> -> memref<1x4x2048xi32, #tpu.memory_space<vmem>>
          %parallel_loop3A_336 = tpu.memref_squeeze %parallel_loop3A_335 : memref<1x4x2048xi32, #tpu.memory_space<vmem>> -> memref<4x2048xi32, #tpu.memory_space<vmem>>
          %parallel_loop3A_337 = arith.index_cast %parallel_loop3A_326 : i32 to index
          %parallel_loop3A_338 = arith.index_cast %parallel_loop3A_332 : i32 to index
          %parallel_loop3A_339 = tpu.vector_load %parallel_loop3A_336[%parallel_loop3A_337, %parallel_loop3A_338] {strides = array<i32>} : memref<4x2048xi32, #tpu.memory_space<vmem>>, vector<1x16xi32>,
          %parallel_loop3A_340 = vector.shape_cast %parallel_loop3A_339 : vector<1x16xi32> to vector<16xi32>
          %parallel_loop3A_341 = arith.constant 31 : i32
          %parallel_loop3A_342 = vector.broadcast %parallel_loop3A_341 : i32 to vector<16xi32>
          %parallel_loop3A_343 = arith.minsi %parallel_loop3A_340, %parallel_loop3A_342 : vector<16xi32>
          %parallel_loop3A_344 = arith.constant 15 : i32
          %parallel_loop3A_345 = vector.broadcast %parallel_loop3A_344 : i32 to vector<16xi32>
          %parallel_loop3A_346 = arith.andi %parallel_loop3A_343, %parallel_loop3A_345 : vector<16xi32>
          %parallel_loop3A_347 = arith.constant 0 : i32
          %parallel_loop3A_348 = vector.broadcast %parallel_loop3A_347 : i32 to vector<16xi32>
          %parallel_loop3A_349 = arith.cmpi slt, %parallel_loop3A_346, %parallel_loop3A_348 : vector<16xi32>
          %parallel_loop3A_350 = arith.constant 16 : i32
          %parallel_loop3A_351 = vector.broadcast %parallel_loop3A_350 : i32 to vector<16xi32>
          %parallel_loop3A_352 = arith.addi %parallel_loop3A_346, %parallel_loop3A_351 : vector<16xi32>
          %parallel_loop3A_353 = arith.select %parallel_loop3A_349, %parallel_loop3A_352, %parallel_loop3A_346 : vector<16xi1>, vector<16xi32>
          %parallel_loop3A_354 = vector.shape_cast %parallel_loop3A_353 : vector<16xi32> to vector<16x1xi32>
          %parallel_loop3A_355 = vector.shape_cast %parallel_loop3A_354 : vector<16x1xi32> to vector<16xi32>
          %parallel_loop3A_356 = tpu.dynamic_gather %get3A_4[%parallel_loop3A_355] in [0] : vector<16xf32>, vector<16xi32> -> vector<16xf32>
          %parallel_loop3A_357 = arith.constant 0 : i32
          %parallel_loop3A_358 = vector.broadcast %parallel_loop3A_357 : i32 to vector<16xi32>
          %parallel_loop3A_359 = arith.cmpi slt, %parallel_loop3A_346, %parallel_loop3A_358 : vector<16xi32>
          %parallel_loop3A_360 = arith.constant 16 : i32
          %parallel_loop3A_361 = vector.broadcast %parallel_loop3A_360 : i32 to vector<16xi32>
          %parallel_loop3A_362 = arith.addi %parallel_loop3A_346, %parallel_loop3A_361 : vector<16xi32>
          %parallel_loop3A_363 = arith.select %parallel_loop3A_359, %parallel_loop3A_362, %parallel_loop3A_346 : vector<16xi1>, vector<16xi32>
          %parallel_loop3A_364 = vector.shape_cast %parallel_loop3A_363 : vector<16xi32> to vector<16x1xi32>
          %parallel_loop3A_365 = vector.shape_cast %parallel_loop3A_364 : vector<16x1xi32> to vector<16xi32>
          %parallel_loop3A_366 = tpu.dynamic_gather %get3A_7[%parallel_loop3A_365] in [0] : vector<16xf32>, vector<16xi32> -> vector<16xf32>
          %parallel_loop3A_367 = arith.constant 16 : i32
          %parallel_loop3A_368 = vector.broadcast %parallel_loop3A_367 : i32 to vector<16xi32>
          %parallel_loop3A_369 = arith.cmpi sge, %parallel_loop3A_340, %parallel_loop3A_368 : vector<16xi32>
          %parallel_loop3A_370 = arith.select %parallel_loop3A_369, %parallel_loop3A_366, %parallel_loop3A_356 : vector<16xi1>, vector<16xf32>
          %parallel_loop3A_371 = arith.constant 16 : i32
          %parallel_loop3A_372 = arith.muli %parallel_loop3A_330, %parallel_loop3A_371 : i32
          %parallel_loop3A_373 = arith.constant 0 : i32
          %parallel_loop3A_374 = arith.constant 0 : i32
          %parallel_loop3A_375 = tpu.memref_slice %arg7[%parallel_loop3A_203, %parallel_loop3A_373, %parallel_loop3A_374] : memref<4x4x2048xf32, #tpu.memory_space<vmem>> -> memref<1x4x2048xf32, #tpu.memory_space<vmem>>
          %parallel_loop3A_376 = tpu.memref_squeeze %parallel_loop3A_375 : memref<1x4x2048xf32, #tpu.memory_space<vmem>> -> memref<4x2048xf32, #tpu.memory_space<vmem>>
          %parallel_loop3A_377 = arith.index_cast %parallel_loop3A_326 : i32 to index
          %parallel_loop3A_378 = arith.index_cast %parallel_loop3A_372 : i32 to index
          %parallel_loop3A_379 = tpu.vector_load %parallel_loop3A_376[%parallel_loop3A_377, %parallel_loop3A_378] {strides = array<i32>} : memref<4x2048xf32, #tpu.memory_space<vmem>>, vector<1x16xf32>,
          %parallel_loop3A_380 = vector.shape_cast %parallel_loop3A_379 : vector<1x16xf32> to vector<16xf32>
          %parallel_loop3A_381 = vector.shape_cast %parallel_loop3A_370 : vector<16xf32> to vector<1x16xf32>
          tpu.vector_store %parallel_loop3A_376[%parallel_loop3A_377, %parallel_loop3A_378], %parallel_loop3A_381 {strides = array<i32>} : memref<4x2048xf32, #tpu.memory_space<vmem>>, vector<1x16xf32>,
        } {sc.loop_unroll_factor = 8 : i64, sc.parallel_access}
      } {sc.loop_unroll_factor = 1 : i64, sc.parallel_access}
      %mul3A_204 = arith.constant 4 : i32
      %mul3A_205 = arith.muli %add3A_168, %mul3A_204 : i32
      %add3A_206 = arith.addi %mul3A_2, %mul3A_205 : i32
      %dma_start3A_207 = arith.constant 1 : i32
      %dma_start3A_208 = arith.constant 0 : i32
      %dma_start3A_209 = arith.constant 0 : i32
      %dma_start3A_210 = tpu.memref_slice %arg7[%dma_start3A_207, %dma_start3A_208, %dma_start3A_209] : memref<4x4x2048xf32, #tpu.memory_space<vmem>> -> memref<1x4x2048xf32, #tpu.memory_space<vmem>>
      %dma_start3A_211 = tpu.memref_squeeze %dma_start3A_210 : memref<1x4x2048xf32, #tpu.memory_space<vmem>> -> memref<4x2048xf32, #tpu.memory_space<vmem>>
      %dma_start3A_212 = arith.constant 0 : i32
      %dma_start3A_213 = tpu.memref_slice %arg4[%add3A_206, %dma_start3A_212] : memref<8192x2048xf32, #tpu.memory_space<hbm>> -> memref<4x2048xf32, #tpu.memory_space<hbm>>
      %dma_start3A_214 = arith.constant 0 : i32
      %dma_start3A_215 = tpu.memref_slice %arg4[%add3A_206, %dma_start3A_214] : memref<8192x2048xf32, #tpu.memory_space<hbm>> -> memref<4x2048xf32, #tpu.memory_space<hbm>>
      %dma_start3A_216 = arith.constant 0 : i32
      %dma_start3A_217 = arith.constant 0 : i32
      %dma_start3A_218 = tpu.memref_slice %arg7[%dma_start3A_207, %dma_start3A_216, %dma_start3A_217] : memref<4x4x2048xf32, #tpu.memory_space<vmem>> -> memref<1x4x2048xf32, #tpu.memory_space<vmem>>
      %dma_start3A_219 = tpu.memref_squeeze %dma_start3A_218 : memref<1x4x2048xf32, #tpu.memory_space<vmem>> -> memref<4x2048xf32, #tpu.memory_space<vmem>>
      tpu.enqueue_dma source(%dma_start3A_219 : memref<4x2048xf32, #tpu.memory_space<vmem>>) target(%dma_start3A_215 : memref<4x2048xf32, #tpu.memory_space<hbm>>) target_semaphore(%arg13 : memref<!tpu.dma_semaphore, #tpu.memory_space<semaphore_mem>>)
      %add3A_220 = arith.constant 2 : i32
      %add3A_221 = arith.addi %add3A_119, %add3A_220 : i32
      %add3A_222 = arith.constant 4 : i32
      %add3A_223 = arith.addi %add3A_221, %add3A_222 : i32
      %sub3A_224 = arith.constant 1 : i32
      %sub3A_225 = arith.subi %add3A_223, %sub3A_224 : i32
      %lt3A_226 = arith.constant 64 : i32
      %lt3A_227 = arith.cmpi slt, %sub3A_225, %lt3A_226 : i32
      %convert_element_type3A_228 = arith.extui %lt3A_227 : i1 to i32
      %cond3A_229 = arith.constant 0 : i32
      %cond3A_230 = arith.cmpi ne, %convert_element_type3A_228, %cond3A_229 : i32
      scf.if %cond3A_230 {
        %add3A_326 = arith.constant 4 : i32
        %add3A_327 = arith.addi %add3A_221, %add3A_326 : i32
        %sub3A_328 = arith.constant 1 : i32
        %sub3A_329 = arith.subi %add3A_327, %sub3A_328 : i32
        %mul3A_330 = arith.constant 4 : i32
        %mul3A_331 = arith.muli %sub3A_329, %mul3A_330 : i32
        %add3A_332 = arith.addi %mul3A_2, %mul3A_331 : i32
        %dma_start3A_333 = arith.constant 1 : i32
        %dma_start3A_334 = arith.constant 0 : i32
        %dma_start3A_335 = arith.constant 0 : i32
        %dma_start3A_336 = tpu.memref_slice %arg6[%dma_start3A_333, %dma_start3A_334, %dma_start3A_335] : memref<4x4x2048xi32, #tpu.memory_space<vmem>> -> memref<1x4x2048xi32, #tpu.memory_space<vmem>>
        %dma_start3A_337 = tpu.memref_squeeze %dma_start3A_336 : memref<1x4x2048xi32, #tpu.memory_space<vmem>> -> memref<4x2048xi32, #tpu.memory_space<vmem>>
        %dma_start3A_338 = arith.constant 0 : i32
        %dma_start3A_339 = tpu.memref_slice %arg2[%add3A_332, %dma_start3A_338] : memref<8192x2048xi32, #tpu.memory_space<hbm>> -> memref<4x2048xi32, #tpu.memory_space<hbm>>
        %dma_start3A_340 = arith.constant 0 : i32
        %dma_start3A_341 = arith.constant 0 : i32
        %dma_start3A_342 = tpu.memref_slice %arg6[%dma_start3A_333, %dma_start3A_340, %dma_start3A_341] : memref<4x4x2048xi32, #tpu.memory_space<vmem>> -> memref<1x4x2048xi32, #tpu.memory_space<vmem>>
        %dma_start3A_343 = tpu.memref_squeeze %dma_start3A_342 : memref<1x4x2048xi32, #tpu.memory_space<vmem>> -> memref<4x2048xi32, #tpu.memory_space<vmem>>
        %dma_start3A_344 = arith.constant 0 : i32
        %dma_start3A_345 = tpu.memref_slice %arg2[%add3A_332, %dma_start3A_344] : memref<8192x2048xi32, #tpu.memory_space<hbm>> -> memref<4x2048xi32, #tpu.memory_space<hbm>>
        tpu.enqueue_dma source(%dma_start3A_345 : memref<4x2048xi32, #tpu.memory_space<hbm>>) target(%dma_start3A_343 : memref<4x2048xi32, #tpu.memory_space<vmem>>) target_semaphore(%arg9 : memref<!tpu.dma_semaphore, #tpu.memory_space<semaphore_mem>>)
      } else {
      }
      %mul3A_231 = arith.constant 4 : i32
      %mul3A_232 = arith.muli %add3A_221, %mul3A_231 : i32
      %add3A_233 = arith.addi %mul3A_2, %mul3A_232 : i32
      %dma_wait3A_234 = arith.constant 2 : i32
      %dma_wait3A_235 = arith.constant 0 : i32
      %dma_wait3A_236 = arith.constant 0 : i32
      %dma_wait3A_237 = tpu.memref_slice %arg6[%dma_wait3A_234, %dma_wait3A_235, %dma_wait3A_236] : memref<4x4x2048xi32, #tpu.memory_space<vmem>> -> memref<1x4x2048xi32, #tpu.memory_space<vmem>>
      %dma_wait3A_238 = tpu.memref_squeeze %dma_wait3A_237 : memref<1x4x2048xi32, #tpu.memory_space<vmem>> -> memref<4x2048xi32, #tpu.memory_space<vmem>>
      %dma_wait3A_239 = arith.constant 0 : i32
      %dma_wait3A_240 = tpu.memref_slice %arg2[%add3A_233, %dma_wait3A_239] : memref<8192x2048xi32, #tpu.memory_space<hbm>> -> memref<4x2048xi32, #tpu.memory_space<hbm>>
      %dma_wait3A_241 = arith.constant 0 : i32
      %dma_wait3A_242 = arith.constant 0 : i32
      %dma_wait3A_243 = tpu.memref_slice %arg6[%dma_wait3A_234, %dma_wait3A_241, %dma_wait3A_242] : memref<4x4x2048xi32, #tpu.memory_space<vmem>> -> memref<1x4x2048xi32, #tpu.memory_space<vmem>>
      %dma_wait3A_244 = tpu.memref_squeeze %dma_wait3A_243 : memref<1x4x2048xi32, #tpu.memory_space<vmem>> -> memref<4x2048xi32, #tpu.memory_space<vmem>>
      %dma_wait3A_245 = arith.constant 0 : i32
      %dma_wait3A_246 = tpu.memref_slice %arg2[%add3A_233, %dma_wait3A_245] : memref<8192x2048xi32, #tpu.memory_space<hbm>> -> memref<4x2048xi32, #tpu.memory_space<hbm>>
      tpu.wait_dma2 semaphore(%arg10 : memref<!tpu.dma_semaphore, #tpu.memory_space<semaphore_mem>>) src(%dma_wait3A_246 : memref<4x2048xi32, #tpu.memory_space<hbm>>) dst(%dma_wait3A_244 : memref<4x2048xi32, #tpu.memory_space<vmem>>)
      %ge3A_247 = arith.constant 4 : i32
      %ge3A_248 = arith.cmpi sge, %add3A_221, %ge3A_247 : i32
      %convert_element_type3A_249 = arith.extui %ge3A_248 : i1 to i32
      %cond3A_250 = arith.constant 0 : i32
      %cond3A_251 = arith.cmpi ne, %convert_element_type3A_249, %cond3A_250 : i32
      scf.if %cond3A_251 {
        %sub3A_326 = arith.constant 4 : i32
        %sub3A_327 = arith.subi %add3A_221, %sub3A_326 : i32
        %mul3A_328 = arith.constant 4 : i32
        %mul3A_329 = arith.muli %sub3A_327, %mul3A_328 : i32
        %add3A_330 = arith.addi %mul3A_2, %mul3A_329 : i32
        %dma_wait3A_331 = arith.constant 2 : i32
        %dma_wait3A_332 = arith.constant 0 : i32
        %dma_wait3A_333 = arith.constant 0 : i32
        %dma_wait3A_334 = tpu.memref_slice %arg7[%dma_wait3A_331, %dma_wait3A_332, %dma_wait3A_333] : memref<4x4x2048xf32, #tpu.memory_space<vmem>> -> memref<1x4x2048xf32, #tpu.memory_space<vmem>>
        %dma_wait3A_335 = tpu.memref_squeeze %dma_wait3A_334 : memref<1x4x2048xf32, #tpu.memory_space<vmem>> -> memref<4x2048xf32, #tpu.memory_space<vmem>>
        %dma_wait3A_336 = arith.constant 0 : i32
        %dma_wait3A_337 = tpu.memref_slice %arg4[%add3A_330, %dma_wait3A_336] : memref<8192x2048xf32, #tpu.memory_space<hbm>> -> memref<4x2048xf32, #tpu.memory_space<hbm>>
        %dma_wait3A_338 = arith.constant 0 : i32
        %dma_wait3A_339 = tpu.memref_slice %arg4[%add3A_330, %dma_wait3A_338] : memref<8192x2048xf32, #tpu.memory_space<hbm>> -> memref<4x2048xf32, #tpu.memory_space<hbm>>
        %dma_wait3A_340 = arith.constant 0 : i32
        %dma_wait3A_341 = arith.constant 0 : i32
        %dma_wait3A_342 = tpu.memref_slice %arg7[%dma_wait3A_331, %dma_wait3A_340, %dma_wait3A_341] : memref<4x4x2048xf32, #tpu.memory_space<vmem>> -> memref<1x4x2048xf32, #tpu.memory_space<vmem>>
        %dma_wait3A_343 = tpu.memref_squeeze %dma_wait3A_342 : memref<1x4x2048xf32, #tpu.memory_space<vmem>> -> memref<4x2048xf32, #tpu.memory_space<vmem>>
        tpu.wait_dma2 semaphore(%arg14 : memref<!tpu.dma_semaphore, #tpu.memory_space<semaphore_mem>>) src(%dma_wait3A_343 : memref<4x2048xf32, #tpu.memory_space<vmem>>) dst(%dma_wait3A_339 : memref<4x2048xf32, #tpu.memory_space<hbm>>)
      } else {
      }
      %parallel_loop3A_252 = arith.constant 0 : i32
      %parallel_loop3A_253 = arith.constant 4 : i32
      %parallel_loop3A_254 = arith.constant 1 : i32
      %parallel_loop3A_255 = arith.constant 2 : i32
      %parallel_loop3A_256 = arith.constant 2 : i32
      scf.for %parallel_loop3A_326 = %parallel_loop3A_252 to %parallel_loop3A_253 step %parallel_loop3A_254  : i32 {
        %parallel_loop3A_327 = arith.constant 0 : i32
        %parallel_loop3A_328 = arith.constant 128 : i32
        %parallel_loop3A_329 = arith.constant 1 : i32
        scf.for %parallel_loop3A_330 = %parallel_loop3A_327 to %parallel_loop3A_328 step %parallel_loop3A_329  : i32 {
          %parallel_loop3A_331 = arith.constant 16 : i32
          %parallel_loop3A_332 = arith.muli %parallel_loop3A_330, %parallel_loop3A_331 : i32
          %parallel_loop3A_333 = arith.constant 0 : i32
          %parallel_loop3A_334 = arith.constant 0 : i32
          %parallel_loop3A_335 = tpu.memref_slice %arg6[%parallel_loop3A_255, %parallel_loop3A_333, %parallel_loop3A_334] : memref<4x4x2048xi32, #tpu.memory_space<vmem>> -> memref<1x4x2048xi32, #tpu.memory_space<vmem>>
          %parallel_loop3A_336 = tpu.memref_squeeze %parallel_loop3A_335 : memref<1x4x2048xi32, #tpu.memory_space<vmem>> -> memref<4x2048xi32, #tpu.memory_space<vmem>>
          %parallel_loop3A_337 = arith.index_cast %parallel_loop3A_326 : i32 to index
          %parallel_loop3A_338 = arith.index_cast %parallel_loop3A_332 : i32 to index
          %parallel_loop3A_339 = tpu.vector_load %parallel_loop3A_336[%parallel_loop3A_337, %parallel_loop3A_338] {strides = array<i32>} : memref<4x2048xi32, #tpu.memory_space<vmem>>, vector<1x16xi32>,
          %parallel_loop3A_340 = vector.shape_cast %parallel_loop3A_339 : vector<1x16xi32> to vector<16xi32>
          %parallel_loop3A_341 = arith.constant 31 : i32
          %parallel_loop3A_342 = vector.broadcast %parallel_loop3A_341 : i32 to vector<16xi32>
          %parallel_loop3A_343 = arith.minsi %parallel_loop3A_340, %parallel_loop3A_342 : vector<16xi32>
          %parallel_loop3A_344 = arith.constant 15 : i32
          %parallel_loop3A_345 = vector.broadcast %parallel_loop3A_344 : i32 to vector<16xi32>
          %parallel_loop3A_346 = arith.andi %parallel_loop3A_343, %parallel_loop3A_345 : vector<16xi32>
          %parallel_loop3A_347 = arith.constant 0 : i32
          %parallel_loop3A_348 = vector.broadcast %parallel_loop3A_347 : i32 to vector<16xi32>
          %parallel_loop3A_349 = arith.cmpi slt, %parallel_loop3A_346, %parallel_loop3A_348 : vector<16xi32>
          %parallel_loop3A_350 = arith.constant 16 : i32
          %parallel_loop3A_351 = vector.broadcast %parallel_loop3A_350 : i32 to vector<16xi32>
          %parallel_loop3A_352 = arith.addi %parallel_loop3A_346, %parallel_loop3A_351 : vector<16xi32>
          %parallel_loop3A_353 = arith.select %parallel_loop3A_349, %parallel_loop3A_352, %parallel_loop3A_346 : vector<16xi1>, vector<16xi32>
          %parallel_loop3A_354 = vector.shape_cast %parallel_loop3A_353 : vector<16xi32> to vector<16x1xi32>
          %parallel_loop3A_355 = vector.shape_cast %parallel_loop3A_354 : vector<16x1xi32> to vector<16xi32>
          %parallel_loop3A_356 = tpu.dynamic_gather %get3A_4[%parallel_loop3A_355] in [0] : vector<16xf32>, vector<16xi32> -> vector<16xf32>
          %parallel_loop3A_357 = arith.constant 0 : i32
          %parallel_loop3A_358 = vector.broadcast %parallel_loop3A_357 : i32 to vector<16xi32>
          %parallel_loop3A_359 = arith.cmpi slt, %parallel_loop3A_346, %parallel_loop3A_358 : vector<16xi32>
          %parallel_loop3A_360 = arith.constant 16 : i32
          %parallel_loop3A_361 = vector.broadcast %parallel_loop3A_360 : i32 to vector<16xi32>
          %parallel_loop3A_362 = arith.addi %parallel_loop3A_346, %parallel_loop3A_361 : vector<16xi32>
          %parallel_loop3A_363 = arith.select %parallel_loop3A_359, %parallel_loop3A_362, %parallel_loop3A_346 : vector<16xi1>, vector<16xi32>
          %parallel_loop3A_364 = vector.shape_cast %parallel_loop3A_363 : vector<16xi32> to vector<16x1xi32>
          %parallel_loop3A_365 = vector.shape_cast %parallel_loop3A_364 : vector<16x1xi32> to vector<16xi32>
          %parallel_loop3A_366 = tpu.dynamic_gather %get3A_7[%parallel_loop3A_365] in [0] : vector<16xf32>, vector<16xi32> -> vector<16xf32>
          %parallel_loop3A_367 = arith.constant 16 : i32
          %parallel_loop3A_368 = vector.broadcast %parallel_loop3A_367 : i32 to vector<16xi32>
          %parallel_loop3A_369 = arith.cmpi sge, %parallel_loop3A_340, %parallel_loop3A_368 : vector<16xi32>
          %parallel_loop3A_370 = arith.select %parallel_loop3A_369, %parallel_loop3A_366, %parallel_loop3A_356 : vector<16xi1>, vector<16xf32>
          %parallel_loop3A_371 = arith.constant 16 : i32
          %parallel_loop3A_372 = arith.muli %parallel_loop3A_330, %parallel_loop3A_371 : i32
          %parallel_loop3A_373 = arith.constant 0 : i32
          %parallel_loop3A_374 = arith.constant 0 : i32
          %parallel_loop3A_375 = tpu.memref_slice %arg7[%parallel_loop3A_256, %parallel_loop3A_373, %parallel_loop3A_374] : memref<4x4x2048xf32, #tpu.memory_space<vmem>> -> memref<1x4x2048xf32, #tpu.memory_space<vmem>>
          %parallel_loop3A_376 = tpu.memref_squeeze %parallel_loop3A_375 : memref<1x4x2048xf32, #tpu.memory_space<vmem>> -> memref<4x2048xf32, #tpu.memory_space<vmem>>
          %parallel_loop3A_377 = arith.index_cast %parallel_loop3A_326 : i32 to index
          %parallel_loop3A_378 = arith.index_cast %parallel_loop3A_372 : i32 to index
          %parallel_loop3A_379 = tpu.vector_load %parallel_loop3A_376[%parallel_loop3A_377, %parallel_loop3A_378] {strides = array<i32>} : memref<4x2048xf32, #tpu.memory_space<vmem>>, vector<1x16xf32>,
          %parallel_loop3A_380 = vector.shape_cast %parallel_loop3A_379 : vector<1x16xf32> to vector<16xf32>
          %parallel_loop3A_381 = vector.shape_cast %parallel_loop3A_370 : vector<16xf32> to vector<1x16xf32>
          tpu.vector_store %parallel_loop3A_376[%parallel_loop3A_377, %parallel_loop3A_378], %parallel_loop3A_381 {strides = array<i32>} : memref<4x2048xf32, #tpu.memory_space<vmem>>, vector<1x16xf32>,
        } {sc.loop_unroll_factor = 8 : i64, sc.parallel_access}
      } {sc.loop_unroll_factor = 1 : i64, sc.parallel_access}
      %mul3A_257 = arith.constant 4 : i32
      %mul3A_258 = arith.muli %add3A_221, %mul3A_257 : i32
      %add3A_259 = arith.addi %mul3A_2, %mul3A_258 : i32
      %dma_start3A_260 = arith.constant 2 : i32
      %dma_start3A_261 = arith.constant 0 : i32
      %dma_start3A_262 = arith.constant 0 : i32
      %dma_start3A_263 = tpu.memref_slice %arg7[%dma_start3A_260, %dma_start3A_261, %dma_start3A_262] : memref<4x4x2048xf32, #tpu.memory_space<vmem>> -> memref<1x4x2048xf32, #tpu.memory_space<vmem>>
      %dma_start3A_264 = tpu.memref_squeeze %dma_start3A_263 : memref<1x4x2048xf32, #tpu.memory_space<vmem>> -> memref<4x2048xf32, #tpu.memory_space<vmem>>
      %dma_start3A_265 = arith.constant 0 : i32
      %dma_start3A_266 = tpu.memref_slice %arg4[%add3A_259, %dma_start3A_265] : memref<8192x2048xf32, #tpu.memory_space<hbm>> -> memref<4x2048xf32, #tpu.memory_space<hbm>>
      %dma_start3A_267 = arith.constant 0 : i32
      %dma_start3A_268 = tpu.memref_slice %arg4[%add3A_259, %dma_start3A_267] : memref<8192x2048xf32, #tpu.memory_space<hbm>> -> memref<4x2048xf32, #tpu.memory_space<hbm>>
      %dma_start3A_269 = arith.constant 0 : i32
      %dma_start3A_270 = arith.constant 0 : i32
      %dma_start3A_271 = tpu.memref_slice %arg7[%dma_start3A_260, %dma_start3A_269, %dma_start3A_270] : memref<4x4x2048xf32, #tpu.memory_space<vmem>> -> memref<1x4x2048xf32, #tpu.memory_space<vmem>>
      %dma_start3A_272 = tpu.memref_squeeze %dma_start3A_271 : memref<1x4x2048xf32, #tpu.memory_space<vmem>> -> memref<4x2048xf32, #tpu.memory_space<vmem>>
      tpu.enqueue_dma source(%dma_start3A_272 : memref<4x2048xf32, #tpu.memory_space<vmem>>) target(%dma_start3A_268 : memref<4x2048xf32, #tpu.memory_space<hbm>>) target_semaphore(%arg14 : memref<!tpu.dma_semaphore, #tpu.memory_space<semaphore_mem>>)
      %add3A_273 = arith.constant 3 : i32
      %add3A_274 = arith.addi %add3A_119, %add3A_273 : i32
      %add3A_275 = arith.constant 4 : i32
      %add3A_276 = arith.addi %add3A_274, %add3A_275 : i32
      %sub3A_277 = arith.constant 1 : i32
      %sub3A_278 = arith.subi %add3A_276, %sub3A_277 : i32
      %lt3A_279 = arith.constant 64 : i32
      %lt3A_280 = arith.cmpi slt, %sub3A_278, %lt3A_279 : i32
      %convert_element_type3A_281 = arith.extui %lt3A_280 : i1 to i32
      %cond3A_282 = arith.constant 0 : i32
      %cond3A_283 = arith.cmpi ne, %convert_element_type3A_281, %cond3A_282 : i32
      scf.if %cond3A_283 {
        %add3A_326 = arith.constant 4 : i32
        %add3A_327 = arith.addi %add3A_274, %add3A_326 : i32
        %sub3A_328 = arith.constant 1 : i32
        %sub3A_329 = arith.subi %add3A_327, %sub3A_328 : i32
        %mul3A_330 = arith.constant 4 : i32
        %mul3A_331 = arith.muli %sub3A_329, %mul3A_330 : i32
        %add3A_332 = arith.addi %mul3A_2, %mul3A_331 : i32
        %dma_start3A_333 = arith.constant 2 : i32
        %dma_start3A_334 = arith.constant 0 : i32
        %dma_start3A_335 = arith.constant 0 : i32
        %dma_start3A_336 = tpu.memref_slice %arg6[%dma_start3A_333, %dma_start3A_334, %dma_start3A_335] : memref<4x4x2048xi32, #tpu.memory_space<vmem>> -> memref<1x4x2048xi32, #tpu.memory_space<vmem>>
        %dma_start3A_337 = tpu.memref_squeeze %dma_start3A_336 : memref<1x4x2048xi32, #tpu.memory_space<vmem>> -> memref<4x2048xi32, #tpu.memory_space<vmem>>
        %dma_start3A_338 = arith.constant 0 : i32
        %dma_start3A_339 = tpu.memref_slice %arg2[%add3A_332, %dma_start3A_338] : memref<8192x2048xi32, #tpu.memory_space<hbm>> -> memref<4x2048xi32, #tpu.memory_space<hbm>>
        %dma_start3A_340 = arith.constant 0 : i32
        %dma_start3A_341 = arith.constant 0 : i32
        %dma_start3A_342 = tpu.memref_slice %arg6[%dma_start3A_333, %dma_start3A_340, %dma_start3A_341] : memref<4x4x2048xi32, #tpu.memory_space<vmem>> -> memref<1x4x2048xi32, #tpu.memory_space<vmem>>
        %dma_start3A_343 = tpu.memref_squeeze %dma_start3A_342 : memref<1x4x2048xi32, #tpu.memory_space<vmem>> -> memref<4x2048xi32, #tpu.memory_space<vmem>>
        %dma_start3A_344 = arith.constant 0 : i32
        %dma_start3A_345 = tpu.memref_slice %arg2[%add3A_332, %dma_start3A_344] : memref<8192x2048xi32, #tpu.memory_space<hbm>> -> memref<4x2048xi32, #tpu.memory_space<hbm>>
        tpu.enqueue_dma source(%dma_start3A_345 : memref<4x2048xi32, #tpu.memory_space<hbm>>) target(%dma_start3A_343 : memref<4x2048xi32, #tpu.memory_space<vmem>>) target_semaphore(%arg10 : memref<!tpu.dma_semaphore, #tpu.memory_space<semaphore_mem>>)
      } else {
      }
      %mul3A_284 = arith.constant 4 : i32
      %mul3A_285 = arith.muli %add3A_274, %mul3A_284 : i32
      %add3A_286 = arith.addi %mul3A_2, %mul3A_285 : i32
      %dma_wait3A_287 = arith.constant 3 : i32
      %dma_wait3A_288 = arith.constant 0 : i32
      %dma_wait3A_289 = arith.constant 0 : i32
      %dma_wait3A_290 = tpu.memref_slice %arg6[%dma_wait3A_287, %dma_wait3A_288, %dma_wait3A_289] : memref<4x4x2048xi32, #tpu.memory_space<vmem>> -> memref<1x4x2048xi32, #tpu.memory_space<vmem>>
      %dma_wait3A_291 = tpu.memref_squeeze %dma_wait3A_290 : memref<1x4x2048xi32, #tpu.memory_space<vmem>> -> memref<4x2048xi32, #tpu.memory_space<vmem>>
      %dma_wait3A_292 = arith.constant 0 : i32
      %dma_wait3A_293 = tpu.memref_slice %arg2[%add3A_286, %dma_wait3A_292] : memref<8192x2048xi32, #tpu.memory_space<hbm>> -> memref<4x2048xi32, #tpu.memory_space<hbm>>
      %dma_wait3A_294 = arith.constant 0 : i32
      %dma_wait3A_295 = arith.constant 0 : i32
      %dma_wait3A_296 = tpu.memref_slice %arg6[%dma_wait3A_287, %dma_wait3A_294, %dma_wait3A_295] : memref<4x4x2048xi32, #tpu.memory_space<vmem>> -> memref<1x4x2048xi32, #tpu.memory_space<vmem>>
      %dma_wait3A_297 = tpu.memref_squeeze %dma_wait3A_296 : memref<1x4x2048xi32, #tpu.memory_space<vmem>> -> memref<4x2048xi32, #tpu.memory_space<vmem>>
      %dma_wait3A_298 = arith.constant 0 : i32
      %dma_wait3A_299 = tpu.memref_slice %arg2[%add3A_286, %dma_wait3A_298] : memref<8192x2048xi32, #tpu.memory_space<hbm>> -> memref<4x2048xi32, #tpu.memory_space<hbm>>
      tpu.wait_dma2 semaphore(%arg11 : memref<!tpu.dma_semaphore, #tpu.memory_space<semaphore_mem>>) src(%dma_wait3A_299 : memref<4x2048xi32, #tpu.memory_space<hbm>>) dst(%dma_wait3A_297 : memref<4x2048xi32, #tpu.memory_space<vmem>>)
      %ge3A_300 = arith.constant 4 : i32
      %ge3A_301 = arith.cmpi sge, %add3A_274, %ge3A_300 : i32
      %convert_element_type3A_302 = arith.extui %ge3A_301 : i1 to i32
      %cond3A_303 = arith.constant 0 : i32
      %cond3A_304 = arith.cmpi ne, %convert_element_type3A_302, %cond3A_303 : i32
      scf.if %cond3A_304 {
        %sub3A_326 = arith.constant 4 : i32
        %sub3A_327 = arith.subi %add3A_274, %sub3A_326 : i32
        %mul3A_328 = arith.constant 4 : i32
        %mul3A_329 = arith.muli %sub3A_327, %mul3A_328 : i32
        %add3A_330 = arith.addi %mul3A_2, %mul3A_329 : i32
        %dma_wait3A_331 = arith.constant 3 : i32
        %dma_wait3A_332 = arith.constant 0 : i32
        %dma_wait3A_333 = arith.constant 0 : i32
        %dma_wait3A_334 = tpu.memref_slice %arg7[%dma_wait3A_331, %dma_wait3A_332, %dma_wait3A_333] : memref<4x4x2048xf32, #tpu.memory_space<vmem>> -> memref<1x4x2048xf32, #tpu.memory_space<vmem>>
        %dma_wait3A_335 = tpu.memref_squeeze %dma_wait3A_334 : memref<1x4x2048xf32, #tpu.memory_space<vmem>> -> memref<4x2048xf32, #tpu.memory_space<vmem>>
        %dma_wait3A_336 = arith.constant 0 : i32
        %dma_wait3A_337 = tpu.memref_slice %arg4[%add3A_330, %dma_wait3A_336] : memref<8192x2048xf32, #tpu.memory_space<hbm>> -> memref<4x2048xf32, #tpu.memory_space<hbm>>
        %dma_wait3A_338 = arith.constant 0 : i32
        %dma_wait3A_339 = tpu.memref_slice %arg4[%add3A_330, %dma_wait3A_338] : memref<8192x2048xf32, #tpu.memory_space<hbm>> -> memref<4x2048xf32, #tpu.memory_space<hbm>>
        %dma_wait3A_340 = arith.constant 0 : i32
        %dma_wait3A_341 = arith.constant 0 : i32
        %dma_wait3A_342 = tpu.memref_slice %arg7[%dma_wait3A_331, %dma_wait3A_340, %dma_wait3A_341] : memref<4x4x2048xf32, #tpu.memory_space<vmem>> -> memref<1x4x2048xf32, #tpu.memory_space<vmem>>
        %dma_wait3A_343 = tpu.memref_squeeze %dma_wait3A_342 : memref<1x4x2048xf32, #tpu.memory_space<vmem>> -> memref<4x2048xf32, #tpu.memory_space<vmem>>
        tpu.wait_dma2 semaphore(%arg15 : memref<!tpu.dma_semaphore, #tpu.memory_space<semaphore_mem>>) src(%dma_wait3A_343 : memref<4x2048xf32, #tpu.memory_space<vmem>>) dst(%dma_wait3A_339 : memref<4x2048xf32, #tpu.memory_space<hbm>>)
      } else {
      }
      %parallel_loop3A_305 = arith.constant 0 : i32
      %parallel_loop3A_306 = arith.constant 4 : i32
      %parallel_loop3A_307 = arith.constant 1 : i32
      %parallel_loop3A_308 = arith.constant 3 : i32
      %parallel_loop3A_309 = arith.constant 3 : i32
      scf.for %parallel_loop3A_326 = %parallel_loop3A_305 to %parallel_loop3A_306 step %parallel_loop3A_307  : i32 {
        %parallel_loop3A_327 = arith.constant 0 : i32
        %parallel_loop3A_328 = arith.constant 128 : i32
        %parallel_loop3A_329 = arith.constant 1 : i32
        scf.for %parallel_loop3A_330 = %parallel_loop3A_327 to %parallel_loop3A_328 step %parallel_loop3A_329  : i32 {
          %parallel_loop3A_331 = arith.constant 16 : i32
          %parallel_loop3A_332 = arith.muli %parallel_loop3A_330, %parallel_loop3A_331 : i32
          %parallel_loop3A_333 = arith.constant 0 : i32
          %parallel_loop3A_334 = arith.constant 0 : i32
          %parallel_loop3A_335 = tpu.memref_slice %arg6[%parallel_loop3A_308, %parallel_loop3A_333, %parallel_loop3A_334] : memref<4x4x2048xi32, #tpu.memory_space<vmem>> -> memref<1x4x2048xi32, #tpu.memory_space<vmem>>
          %parallel_loop3A_336 = tpu.memref_squeeze %parallel_loop3A_335 : memref<1x4x2048xi32, #tpu.memory_space<vmem>> -> memref<4x2048xi32, #tpu.memory_space<vmem>>
          %parallel_loop3A_337 = arith.index_cast %parallel_loop3A_326 : i32 to index
          %parallel_loop3A_338 = arith.index_cast %parallel_loop3A_332 : i32 to index
          %parallel_loop3A_339 = tpu.vector_load %parallel_loop3A_336[%parallel_loop3A_337, %parallel_loop3A_338] {strides = array<i32>} : memref<4x2048xi32, #tpu.memory_space<vmem>>, vector<1x16xi32>,
          %parallel_loop3A_340 = vector.shape_cast %parallel_loop3A_339 : vector<1x16xi32> to vector<16xi32>
          %parallel_loop3A_341 = arith.constant 31 : i32
          %parallel_loop3A_342 = vector.broadcast %parallel_loop3A_341 : i32 to vector<16xi32>
          %parallel_loop3A_343 = arith.minsi %parallel_loop3A_340, %parallel_loop3A_342 : vector<16xi32>
          %parallel_loop3A_344 = arith.constant 15 : i32
          %parallel_loop3A_345 = vector.broadcast %parallel_loop3A_344 : i32 to vector<16xi32>
          %parallel_loop3A_346 = arith.andi %parallel_loop3A_343, %parallel_loop3A_345 : vector<16xi32>
          %parallel_loop3A_347 = arith.constant 0 : i32
          %parallel_loop3A_348 = vector.broadcast %parallel_loop3A_347 : i32 to vector<16xi32>
          %parallel_loop3A_349 = arith.cmpi slt, %parallel_loop3A_346, %parallel_loop3A_348 : vector<16xi32>
          %parallel_loop3A_350 = arith.constant 16 : i32
          %parallel_loop3A_351 = vector.broadcast %parallel_loop3A_350 : i32 to vector<16xi32>
          %parallel_loop3A_352 = arith.addi %parallel_loop3A_346, %parallel_loop3A_351 : vector<16xi32>
          %parallel_loop3A_353 = arith.select %parallel_loop3A_349, %parallel_loop3A_352, %parallel_loop3A_346 : vector<16xi1>, vector<16xi32>
          %parallel_loop3A_354 = vector.shape_cast %parallel_loop3A_353 : vector<16xi32> to vector<16x1xi32>
          %parallel_loop3A_355 = vector.shape_cast %parallel_loop3A_354 : vector<16x1xi32> to vector<16xi32>
          %parallel_loop3A_356 = tpu.dynamic_gather %get3A_4[%parallel_loop3A_355] in [0] : vector<16xf32>, vector<16xi32> -> vector<16xf32>
          %parallel_loop3A_357 = arith.constant 0 : i32
          %parallel_loop3A_358 = vector.broadcast %parallel_loop3A_357 : i32 to vector<16xi32>
          %parallel_loop3A_359 = arith.cmpi slt, %parallel_loop3A_346, %parallel_loop3A_358 : vector<16xi32>
          %parallel_loop3A_360 = arith.constant 16 : i32
          %parallel_loop3A_361 = vector.broadcast %parallel_loop3A_360 : i32 to vector<16xi32>
          %parallel_loop3A_362 = arith.addi %parallel_loop3A_346, %parallel_loop3A_361 : vector<16xi32>
          %parallel_loop3A_363 = arith.select %parallel_loop3A_359, %parallel_loop3A_362, %parallel_loop3A_346 : vector<16xi1>, vector<16xi32>
          %parallel_loop3A_364 = vector.shape_cast %parallel_loop3A_363 : vector<16xi32> to vector<16x1xi32>
          %parallel_loop3A_365 = vector.shape_cast %parallel_loop3A_364 : vector<16x1xi32> to vector<16xi32>
          %parallel_loop3A_366 = tpu.dynamic_gather %get3A_7[%parallel_loop3A_365] in [0] : vector<16xf32>, vector<16xi32> -> vector<16xf32>
          %parallel_loop3A_367 = arith.constant 16 : i32
          %parallel_loop3A_368 = vector.broadcast %parallel_loop3A_367 : i32 to vector<16xi32>
          %parallel_loop3A_369 = arith.cmpi sge, %parallel_loop3A_340, %parallel_loop3A_368 : vector<16xi32>
          %parallel_loop3A_370 = arith.select %parallel_loop3A_369, %parallel_loop3A_366, %parallel_loop3A_356 : vector<16xi1>, vector<16xf32>
          %parallel_loop3A_371 = arith.constant 16 : i32
          %parallel_loop3A_372 = arith.muli %parallel_loop3A_330, %parallel_loop3A_371 : i32
          %parallel_loop3A_373 = arith.constant 0 : i32
          %parallel_loop3A_374 = arith.constant 0 : i32
          %parallel_loop3A_375 = tpu.memref_slice %arg7[%parallel_loop3A_309, %parallel_loop3A_373, %parallel_loop3A_374] : memref<4x4x2048xf32, #tpu.memory_space<vmem>> -> memref<1x4x2048xf32, #tpu.memory_space<vmem>>
          %parallel_loop3A_376 = tpu.memref_squeeze %parallel_loop3A_375 : memref<1x4x2048xf32, #tpu.memory_space<vmem>> -> memref<4x2048xf32, #tpu.memory_space<vmem>>
          %parallel_loop3A_377 = arith.index_cast %parallel_loop3A_326 : i32 to index
          %parallel_loop3A_378 = arith.index_cast %parallel_loop3A_372 : i32 to index
          %parallel_loop3A_379 = tpu.vector_load %parallel_loop3A_376[%parallel_loop3A_377, %parallel_loop3A_378] {strides = array<i32>} : memref<4x2048xf32, #tpu.memory_space<vmem>>, vector<1x16xf32>,
          %parallel_loop3A_380 = vector.shape_cast %parallel_loop3A_379 : vector<1x16xf32> to vector<16xf32>
          %parallel_loop3A_381 = vector.shape_cast %parallel_loop3A_370 : vector<16xf32> to vector<1x16xf32>
          tpu.vector_store %parallel_loop3A_376[%parallel_loop3A_377, %parallel_loop3A_378], %parallel_loop3A_381 {strides = array<i32>} : memref<4x2048xf32, #tpu.memory_space<vmem>>, vector<1x16xf32>,
        } {sc.loop_unroll_factor = 8 : i64, sc.parallel_access}
      } {sc.loop_unroll_factor = 1 : i64, sc.parallel_access}
      %mul3A_310 = arith.constant 4 : i32
      %mul3A_311 = arith.muli %add3A_274, %mul3A_310 : i32
      %add3A_312 = arith.addi %mul3A_2, %mul3A_311 : i32
      %dma_start3A_313 = arith.constant 3 : i32
      %dma_start3A_314 = arith.constant 0 : i32
      %dma_start3A_315 = arith.constant 0 : i32
      %dma_start3A_316 = tpu.memref_slice %arg7[%dma_start3A_313, %dma_start3A_314, %dma_start3A_315] : memref<4x4x2048xf32, #tpu.memory_space<vmem>> -> memref<1x4x2048xf32, #tpu.memory_space<vmem>>
      %dma_start3A_317 = tpu.memref_squeeze %dma_start3A_316 : memref<1x4x2048xf32, #tpu.memory_space<vmem>> -> memref<4x2048xf32, #tpu.memory_space<vmem>>
      %dma_start3A_318 = arith.constant 0 : i32
      %dma_start3A_319 = tpu.memref_slice %arg4[%add3A_312, %dma_start3A_318] : memref<8192x2048xf32, #tpu.memory_space<hbm>> -> memref<4x2048xf32, #tpu.memory_space<hbm>>
      %dma_start3A_320 = arith.constant 0 : i32
      %dma_start3A_321 = tpu.memref_slice %arg4[%add3A_312, %dma_start3A_320] : memref<8192x2048xf32, #tpu.memory_space<hbm>> -> memref<4x2048xf32, #tpu.memory_space<hbm>>
      %dma_start3A_322 = arith.constant 0 : i32
      %dma_start3A_323 = arith.constant 0 : i32
      %dma_start3A_324 = tpu.memref_slice %arg7[%dma_start3A_313, %dma_start3A_322, %dma_start3A_323] : memref<4x4x2048xf32, #tpu.memory_space<vmem>> -> memref<1x4x2048xf32, #tpu.memory_space<vmem>>
      %dma_start3A_325 = tpu.memref_squeeze %dma_start3A_324 : memref<1x4x2048xf32, #tpu.memory_space<vmem>> -> memref<4x2048xf32, #tpu.memory_space<vmem>>
      tpu.enqueue_dma source(%dma_start3A_325 : memref<4x2048xf32, #tpu.memory_space<vmem>>) target(%dma_start3A_321 : memref<4x2048xf32, #tpu.memory_space<hbm>>) target_semaphore(%arg15 : memref<!tpu.dma_semaphore, #tpu.memory_space<semaphore_mem>>)
    }
    %scan3A_55 = arith.constant 16 : i32
    %add3A_56 = arith.constant 240 : i32
    %add3A_57 = arith.addi %mul3A_2, %add3A_56 : i32
    %dma_wait3A = arith.constant 0 : i32
    %dma_wait3A_58 = arith.constant 0 : i32
    %dma_wait3A_59 = arith.constant 0 : i32
    %dma_wait3A_60 = tpu.memref_slice %arg7[%dma_wait3A, %dma_wait3A_58, %dma_wait3A_59] : memref<4x4x2048xf32, #tpu.memory_space<vmem>> -> memref<1x4x2048xf32, #tpu.memory_space<vmem>>
    %dma_wait3A_61 = tpu.memref_squeeze %dma_wait3A_60 : memref<1x4x2048xf32, #tpu.memory_space<vmem>> -> memref<4x2048xf32, #tpu.memory_space<vmem>>
    %dma_wait3A_62 = arith.constant 0 : i32
    %dma_wait3A_63 = tpu.memref_slice %arg4[%add3A_57, %dma_wait3A_62] : memref<8192x2048xf32, #tpu.memory_space<hbm>> -> memref<4x2048xf32, #tpu.memory_space<hbm>>
    %dma_wait3A_64 = arith.constant 0 : i32
    %dma_wait3A_65 = tpu.memref_slice %arg4[%add3A_57, %dma_wait3A_64] : memref<8192x2048xf32, #tpu.memory_space<hbm>> -> memref<4x2048xf32, #tpu.memory_space<hbm>>
    %dma_wait3A_66 = arith.constant 0 : i32
    %dma_wait3A_67 = arith.constant 0 : i32
    %dma_wait3A_68 = tpu.memref_slice %arg7[%dma_wait3A, %dma_wait3A_66, %dma_wait3A_67] : memref<4x4x2048xf32, #tpu.memory_space<vmem>> -> memref<1x4x2048xf32, #tpu.memory_space<vmem>>
    %dma_wait3A_69 = tpu.memref_squeeze %dma_wait3A_68 : memref<1x4x2048xf32, #tpu.memory_space<vmem>> -> memref<4x2048xf32, #tpu.memory_space<vmem>>
    tpu.wait_dma2 semaphore(%arg12 : memref<!tpu.dma_semaphore, #tpu.memory_space<semaphore_mem>>) src(%dma_wait3A_69 : memref<4x2048xf32, #tpu.memory_space<vmem>>) dst(%dma_wait3A_65 : memref<4x2048xf32, #tpu.memory_space<hbm>>)
    %add3A_70 = arith.constant 244 : i32
    %add3A_71 = arith.addi %mul3A_2, %add3A_70 : i32
    %dma_wait3A_72 = arith.constant 1 : i32
    %dma_wait3A_73 = arith.constant 0 : i32
    %dma_wait3A_74 = arith.constant 0 : i32
    %dma_wait3A_75 = tpu.memref_slice %arg7[%dma_wait3A_72, %dma_wait3A_73, %dma_wait3A_74] : memref<4x4x2048xf32, #tpu.memory_space<vmem>> -> memref<1x4x2048xf32, #tpu.memory_space<vmem>>
    %dma_wait3A_76 = tpu.memref_squeeze %dma_wait3A_75 : memref<1x4x2048xf32, #tpu.memory_space<vmem>> -> memref<4x2048xf32, #tpu.memory_space<vmem>>
    %dma_wait3A_77 = arith.constant 0 : i32
    %dma_wait3A_78 = tpu.memref_slice %arg4[%add3A_71, %dma_wait3A_77] : memref<8192x2048xf32, #tpu.memory_space<hbm>> -> memref<4x2048xf32, #tpu.memory_space<hbm>>
    %dma_wait3A_79 = arith.constant 0 : i32
    %dma_wait3A_80 = tpu.memref_slice %arg4[%add3A_71, %dma_wait3A_79] : memref<8192x2048xf32, #tpu.memory_space<hbm>> -> memref<4x2048xf32, #tpu.memory_space<hbm>>
    %dma_wait3A_81 = arith.constant 0 : i32
    %dma_wait3A_82 = arith.constant 0 : i32
    %dma_wait3A_83 = tpu.memref_slice %arg7[%dma_wait3A_72, %dma_wait3A_81, %dma_wait3A_82] : memref<4x4x2048xf32, #tpu.memory_space<vmem>> -> memref<1x4x2048xf32, #tpu.memory_space<vmem>>
    %dma_wait3A_84 = tpu.memref_squeeze %dma_wait3A_83 : memref<1x4x2048xf32, #tpu.memory_space<vmem>> -> memref<4x2048xf32, #tpu.memory_space<vmem>>
    tpu.wait_dma2 semaphore(%arg13 : memref<!tpu.dma_semaphore, #tpu.memory_space<semaphore_mem>>) src(%dma_wait3A_84 : memref<4x2048xf32, #tpu.memory_space<vmem>>) dst(%dma_wait3A_80 : memref<4x2048xf32, #tpu.memory_space<hbm>>)
    %add3A_85 = arith.constant 248 : i32
    %add3A_86 = arith.addi %mul3A_2, %add3A_85 : i32
    %dma_wait3A_87 = arith.constant 2 : i32
    %dma_wait3A_88 = arith.constant 0 : i32
    %dma_wait3A_89 = arith.constant 0 : i32
    %dma_wait3A_90 = tpu.memref_slice %arg7[%dma_wait3A_87, %dma_wait3A_88, %dma_wait3A_89] : memref<4x4x2048xf32, #tpu.memory_space<vmem>> -> memref<1x4x2048xf32, #tpu.memory_space<vmem>>
    %dma_wait3A_91 = tpu.memref_squeeze %dma_wait3A_90 : memref<1x4x2048xf32, #tpu.memory_space<vmem>> -> memref<4x2048xf32, #tpu.memory_space<vmem>>
    %dma_wait3A_92 = arith.constant 0 : i32
    %dma_wait3A_93 = tpu.memref_slice %arg4[%add3A_86, %dma_wait3A_92] : memref<8192x2048xf32, #tpu.memory_space<hbm>> -> memref<4x2048xf32, #tpu.memory_space<hbm>>
    %dma_wait3A_94 = arith.constant 0 : i32
    %dma_wait3A_95 = tpu.memref_slice %arg4[%add3A_86, %dma_wait3A_94] : memref<8192x2048xf32, #tpu.memory_space<hbm>> -> memref<4x2048xf32, #tpu.memory_space<hbm>>
    %dma_wait3A_96 = arith.constant 0 : i32
    %dma_wait3A_97 = arith.constant 0 : i32
    %dma_wait3A_98 = tpu.memref_slice %arg7[%dma_wait3A_87, %dma_wait3A_96, %dma_wait3A_97] : memref<4x4x2048xf32, #tpu.memory_space<vmem>> -> memref<1x4x2048xf32, #tpu.memory_space<vmem>>
    %dma_wait3A_99 = tpu.memref_squeeze %dma_wait3A_98 : memref<1x4x2048xf32, #tpu.memory_space<vmem>> -> memref<4x2048xf32, #tpu.memory_space<vmem>>
    tpu.wait_dma2 semaphore(%arg14 : memref<!tpu.dma_semaphore, #tpu.memory_space<semaphore_mem>>) src(%dma_wait3A_99 : memref<4x2048xf32, #tpu.memory_space<vmem>>) dst(%dma_wait3A_95 : memref<4x2048xf32, #tpu.memory_space<hbm>>)
    %add3A_100 = arith.constant 252 : i32
    %add3A_101 = arith.addi %mul3A_2, %add3A_100 : i32
    %dma_wait3A_102 = arith.constant 3 : i32
    %dma_wait3A_103 = arith.constant 0 : i32
    %dma_wait3A_104 = arith.constant 0 : i32
    %dma_wait3A_105 = tpu.memref_slice %arg7[%dma_wait3A_102, %dma_wait3A_103, %dma_wait3A_104] : memref<4x4x2048xf32, #tpu.memory_space<vmem>> -> memref<1x4x2048xf32, #tpu.memory_space<vmem>>
    %dma_wait3A_106 = tpu.memref_squeeze %dma_wait3A_105 : memref<1x4x2048xf32, #tpu.memory_space<vmem>> -> memref<4x2048xf32, #tpu.memory_space<vmem>>
    %dma_wait3A_107 = arith.constant 0 : i32
    %dma_wait3A_108 = tpu.memref_slice %arg4[%add3A_101, %dma_wait3A_107] : memref<8192x2048xf32, #tpu.memory_space<hbm>> -> memref<4x2048xf32, #tpu.memory_space<hbm>>
    %dma_wait3A_109 = arith.constant 0 : i32
    %dma_wait3A_110 = tpu.memref_slice %arg4[%add3A_101, %dma_wait3A_109] : memref<8192x2048xf32, #tpu.memory_space<hbm>> -> memref<4x2048xf32, #tpu.memory_space<hbm>>
    %dma_wait3A_111 = arith.constant 0 : i32
    %dma_wait3A_112 = arith.constant 0 : i32
    %dma_wait3A_113 = tpu.memref_slice %arg7[%dma_wait3A_102, %dma_wait3A_111, %dma_wait3A_112] : memref<4x4x2048xf32, #tpu.memory_space<vmem>> -> memref<1x4x2048xf32, #tpu.memory_space<vmem>>
    %dma_wait3A_114 = tpu.memref_squeeze %dma_wait3A_113 : memref<1x4x2048xf32, #tpu.memory_space<vmem>> -> memref<4x2048xf32, #tpu.memory_space<vmem>>
    tpu.wait_dma2 semaphore(%arg15 : memref<!tpu.dma_semaphore, #tpu.memory_space<semaphore_mem>>) src(%dma_wait3A_114 : memref<4x2048xf32, #tpu.memory_space<vmem>>) dst(%dma_wait3A_110 : memref<4x2048xf32, #tpu.memory_space<hbm>>)
    return
  }
}

</mosaic_0001>

<sc_bundles>
// kernel: kernel.3.cloned.1.call-start
scs
__scs_entry_jumppad:
0x0: {  	(pc) =	sbr.rel $0x88, $3  }
0x1: {  	(tag) =	ssettag $0x0;
	lr =	simm.s32 $0x1  }
0x2: {  	[smem:$0x3F9F] =	sst lr;
	_ =	strace $0xD0000000  }
0x3: {  	_ = 	snop  }
0x4: {  	_ = 	snop  }
0x5: {  	_ = 	snop  }
0x6: {  	_ = 	snop  }
0x7: {  	_ = 	snop  }
__scs_overlays_trampoline_lowered:
0x8: {  	[smem:$0x3FAE] =	sst s0  }
0x9: {  	[smem:$0x3FAF] =	sst s1  }
0xa: {  	[smem:$0x3FB0] =	sst s2  }
0xb: {  	[smem:$0x3FB1] =	sst s3  }
0xc: {  	[smem:$0x3FB2] =	sst s4  }
0xd: {  	[smem:$0x3FB3] =	sst s5  }
0xe: {  	[smem:$0x3FB4] =	sst s6  }
0xf: {  	[smem:$0x3FB5] =	sst s7  }
0x10: {  	[smem:$0x3FB6] =	sst s8  }
0x11: {  	[smem:$0x3FB7] =	sst s9;
	s0 =	simm.s32 @!p0 $0x0  }
0x12: {  	s1 =	sld [smem:$0x3F9D];
	s0 =	simm.s32 @p0 $0x1  }
0x13: {  	[smem:$0x3FB8] =	sst s0;
	s0 =	simm.s32 @!p1 $0x0  }
0x14: {  	s2 =	sld [smem:$0x3F9C];
	s0 =	simm.s32 @p1 $0x1  }
0x15: {  	[smem:$0x3FB9] =	sst s0;
	s0 =	simm.s32 @!p2 $0x0  }
0x16: {  	s3 =	sld [smem:$0x3FDB];
	s0 =	simm.s32 @p2 $0x1  }
0x17: {  	s4 =	simm.s32 $0x1BF5;
	[smem:$0x3FBB] =	sst s0  }
0x18: {  	s0 =	sld [smem:$0x3F9E];
	_ =	swait.ge [sflag:s4], $0x0  }
0x19: {  	s7 =	sld [smem:$0x3F9F]  }
0x1a: {  	s8 =	sadd.s32 $0xFFFFE003, lr  }
0x1b: {  	s9 =	sadd.s32 $0xFFFFFEF7, lr;
	s5 =	simm.s32 $0xFFFFFFFF;
	p2 =	slt.u32 s8, $0xFFFFF086  }
0x1c: {  	p1 =	slt.u32 s9, $0xF7A;
	s5 =	simm.s32 @!p2 $0x0  }
0x1d: {  	s5 =	simm.s32 @p1 $0x1;
	p0 =	seq.s32 s7, s2  }
0x1e: {  	s7 =	smul.u32 @!p0 $0xF7A, s2;
	p2 =	seq.s32 @!p0 s5, $0x0  }
0x1f: {  	s9 =	smul.u32 $0xF7A, s1;
	s8 =	simm.s32 @!p0 $0x1BF5;
	p2 =	por !p2, p0  }
0x20: {  	[sflag:s8] =	ssyncset.s32 @!p0 $0xFFFFF086;
	s6 =	sadd.s32 @!p0 s3, s7;
	s7 =	simm.s32 @!p0 $0x108  }
0x21: {  	s3 =	sadd.s32 s3, s9;
	s6 =	sadd.s32 @!p0 $0x88, s6;
	s7 =	simm.s32 @p2 $0x1082  }
0x22: {  	[simem:s7], [sflag:s8] =	dma.local @!p0 [hbm:s6], $0xF7A  }
0x23: {  	s9 =	sor.u32 $0xD0000000, s2;
	s6 =	simm.s32 $0x108;
	_ =	swait.ge @!p0 [sflag:s8], $0x0  }
0x24: {  	s3 =	sadd.s32 $0x88, s3;
	s6 =	simm.s32 @!p1 $0x1082;
	[sflag:s4] =	ssyncset.s32 $0xFFFFF086  }
0x25: {  	[simem:s6], [sflag:s4] =	dma.local [hbm:s3], $0xF7A  }
0x26: {  	[smem:$0x3F9F] =	sst s1;
	(tag) =	ssettag s2;
	_ =	strace s9  }
0x27: {  	s1 =	sld [smem:$0x3FAF]  }
0x28: {  	s2 =	sld [smem:$0x3FB0]  }
0x29: {  	s4 =	sld [smem:$0x3FB2]  }
0x2a: {  	p0 =	seq.s32 s5, $0x0;
	s5 =	sld [smem:$0x3FB3]  }
0x2b: {  	s6 =	sld [smem:$0x3FB4]  }
0x2c: {  	s7 =	sld [smem:$0x3FB5]  }
0x2d: {  	s3 =	simm.s32 $0x108;
	s8 =	sld [smem:$0x3FB6]  }
0x2e: {  	s3 =	simm.s32 @!p0 $0x1082;
	s9 =	sld [smem:$0x3FB7]  }
0x2f: {  	lr =	sadd.s32 s0, s3;
	s0 =	sld [smem:$0x3FAE]  }
0x30: {  	s3 =	sld [smem:$0x3FB1]  }
0x31: {  	[smem:$0x3FBA] =	sst s10  }
0x32: {  	s10 =	sld [smem:$0x3FB8];
	_ =	sdelay $0x3  }
0x33: {  	p0 =	seq.s32 s10, $0x1;
	s10 =	sld [smem:$0x3FBA];
	_ =	sdelay $0x3  }
0x34: {  	[smem:$0x3FBA] =	sst s10  }
0x35: {  	s10 =	sld [smem:$0x3FB9];
	_ =	sdelay $0x3  }
0x36: {  	p1 =	seq.s32 s10, $0x1;
	s10 =	sld [smem:$0x3FBA];
	_ =	sdelay $0x3  }
0x37: {  	[smem:$0x3FBA] =	sst s10  }
0x38: {  	s10 =	sld [smem:$0x3FBB]  }
0x39: {  	_ = 	snop;
	(pc) =	sbr.ind lr, $3  }
0x3a: {  	_ = 	snop  }
0x3b: {  	_ = 	snop  }
0x3c: {  	p2 =	seq.s32 s10, $0x1;
	s10 =	sld [smem:$0x3FBA]  }
0x3d: {  	_ =	shalt  }
0x3e: {  	_ =	shalt  }
0x3f: {  	_ =	shalt  }
0x40: {  	_ =	shalt  }
0x41: {  	_ =	shalt  }
0x42: {  	_ =	shalt  }
0x43: {  	_ =	shalt  }
0x44: {  	_ =	shalt  }
0x45: {  	_ =	shalt  }
0x46: {  	_ =	shalt  }
0x47: {  	_ =	shalt  }
0x48: {  	_ =	shalt  }
0x49: {  	_ =	shalt  }
0x4a: {  	_ =	shalt  }
0x4b: {  	_ =	shalt  }
0x4c: {  	_ =	shalt  }
0x4d: {  	_ =	shalt  }
0x4e: {  	_ =	shalt  }
0x4f: {  	_ =	shalt  }
0x50: {  	_ =	shalt  }
0x51: {  	_ =	shalt  }
0x52: {  	_ =	shalt  }
0x53: {  	_ =	shalt  }
0x54: {  	_ =	shalt  }
0x55: {  	_ =	shalt  }
0x56: {  	_ =	shalt  }
0x57: {  	_ =	shalt  }
0x58: {  	_ =	shalt  }
0x59: {  	_ =	shalt  }
0x5a: {  	_ =	shalt  }
0x5b: {  	_ =	shalt  }
0x5c: {  	_ =	shalt  }
0x5d: {  	_ =	shalt  }
0x5e: {  	_ =	shalt  }
0x5f: {  	_ =	shalt  }
0x60: {  	_ =	shalt  }
0x61: {  	_ =	shalt  }
0x62: {  	_ =	shalt  }
0x63: {  	_ =	shalt  }
0x64: {  	_ =	shalt  }
0x65: {  	_ =	shalt  }
0x66: {  	_ =	shalt  }
0x67: {  	_ =	shalt  }
0x68: {  	_ =	shalt  }
0x69: {  	_ =	shalt  }
0x6a: {  	_ =	shalt  }
0x6b: {  	_ =	shalt  }
0x6c: {  	_ =	shalt  }
0x6d: {  	_ =	shalt  }
0x6e: {  	_ =	shalt  }
0x6f: {  	_ =	shalt  }
0x70: {  	_ =	shalt  }
0x71: {  	_ =	shalt  }
0x72: {  	_ =	shalt  }
0x73: {  	_ =	shalt  }
0x74: {  	_ =	shalt  }
0x75: {  	_ =	shalt  }
0x76: {  	_ =	shalt  }
0x77: {  	_ =	shalt  }
0x78: {  	_ =	shalt  }
0x79: {  	_ =	shalt  }
0x7a: {  	_ =	shalt  }
0x7b: {  	_ =	shalt  }
0x7c: {  	_ =	shalt  }
0x7d: {  	_ =	shalt  }
0x7e: {  	_ =	shalt  }
0x7f: {  	_ =	shalt  }
0x80: {  	_ =	shalt  }
0x81: {  	_ =	shalt  }
0x82: {  	_ =	shalt  }
0x83: {  	_ =	shalt  }
0x84: {  	_ =	shalt  }
0x85: {  	_ =	shalt  }
0x86: {  	_ =	shalt  }
0x87: {  	_ =	shalt  }
.Lfunc_end0:
.L_simem_size_0:
called_computation_lowered:
.L_overlay_start_0:
0x88: {  	s2 =	sld [smem:$0x3FD9]  }
0x89: {  	s3 =	sld [smem:$0x3FFE];
	_ =	sdelay $0x1  }
0x8a: {  	s1 =	srdreg.scid  }
0x8b: {  	s0 =	sand.u32 $0x1, s1  }
0x8c: {  	s18 =	sshll.u32 s0, $0xA;
	s2 =	sadd.s32 s3, s2  }
0x8d: {  	s2 =	sadd.s32 s2, s18  }
0x8e: {  	[smem:$0x3FC6] =	sst s2  }
0x8f: {  	_ = 	snop  }
0x90: {  	s2 =	sld [smem:$0x3FC9]  }
0x91: {  	s19 =	sld [smem:$0x3FC8]  }
0x92: {  	s4 =	sld [smem:$0x3FD0];
	(tm) =	ssettm $0x1  }
0x93: {  	s5 =	sld [smem:$0x3FFB];
	_ =	sdelay $0x3  }
0x94: {  	_ =	strace s5  }
0x95: {  	s5 =	sld [smem:$0x3FFC];
	_ =	sdelay $0x3  }
0x96: {  	_ =	strace s5  }
0x97: {  	s5 =	sld [smem:$0x3FFD];
	_ =	sdelay $0x3  }
0x98: {  	_ =	strace s5  }
0x99: {  	_ =	strace $0x8FFFFFFF  }
0x9a: {  	s20 =	sld [smem:$0x3FDB];
	_ =	sdelay $0x1  }
0x9b: {  	s6 =	simm.s32 $_scs_section_size  }
0x9c: {  	s7 =	simm.s32 $_size__tile_overlayer_lowered;
	s8 =	simm.s32 $_tile_overlayer_lowered  }
0x9d: {  	s23 =	simm.s32 $0x1BFF;
	s22 =	sshll.u32 s8, $0x1;
	s5 =	sadd.s32 s6, s20  }
0x9e: {  	s9 =	simm.s32 $0x0;
	s21 =	sshll.u32 s7, $0x1;
	s7 =	sadd.s32 s22, s5  }
0x9f: {  	[timem:s9], [sflag:s23] =	dma.local [hbm:s7], s21  }
0xa0: {  	_ =	swait.ge [sflag:s23], s21  }
0xa1: {  	s6 =	ssub.s32 $0x0, s21;
	[sflag:s23] =	ssyncset.done $0x0  }
0xa2: {  	[sflag:s23] =	ssyncadd.s32 s6;
	_ =	sdelay $0x1  }
0xa3: {  	s24 =	simm.s32 $0x1B8B  }
0xa4: {  	_ =	swait.ge [sflag:s24], $0x1  }
0xa5: {  	[sflag:s24] =	ssyncset.done $0x0  }
0xa6: {  	s25 =	simm.s32 $0x1B8E;
	[sflag:s24] =	ssyncadd.s32 $0xFFFFFFFF  }
0xa7: {  	s26 =	simm.s32 $execute0_lowered;
	[smem:$0x3FD2] =	sst s25  }
0xa8: {  	s6 =	sshll.u32 s26, $0x1;
	_ =	strace $0x80000046;
	[dreg:$0x1] =	wrdreg $0xFFFFFFFF  }
0xa9: {  	s28 =	simm.s32 $_size_execute0_lowered;
	s5 =	sadd.s32 s5, s6;
	[dreg:$0x0] =	wrdreg $0x0  }
0xaa: {  	s6 =	sshll.u32 s28, $0x1;
	[dreg:$0x2] =	wrdreg s5  }
0xab: {  	[dreg:$0x3] =	wrdreg s6  }
0xac: {  	[dreg:$0x4] =	wrdreg $0xC0  }
0xad: {  	_ =	task [dreg:s9], $0x5FFFF  }
0xae: {  	[dreg:$0x1] =	wrdreg $0xFFFFFFFF  }
0xaf: {  	[dreg:$0x0] =	wrdreg $0x60  }
0xb0: {  	[dreg:$0x2] =	wrdreg s2  }
0xb1: {  	[dreg:$0x3] =	wrdreg s19  }
0xb2: {  	[dreg:$0x4] =	wrdreg s4  }
0xb3: {  	[dreg:$0x5] =	wrdreg $0x9  }
0xb4: {  	_ =	task.clear_ibuf [dreg:s9], $0x6FFFF;
	_ =	strace $0x90000046  }
0xb5: {  	s29 =	simm.s32 $0x9;
	_ =	strace $0x80000048  }
0xb6: {  	_ =	swait.ge [sflag:s29], $0x1  }
0xb7: {  	[sflag:s29] =	ssyncadd.s32 $0xFFFFFFFF  }
0xb8: {  	_ =	strace $0x90000048  }
0xb9: {  	_ =	sfence  }
0xba: {  	s30 =	sld [smem:$0x0];
	_ =	sdelay $0x2  }
0xbb: {  	s31 =	sshll.u32 s1, $0xD;
	s1 =	sshrl.u32 s1, $0x2  }
0xbc: {  	s3 =	sand.u32 $0x4000, s31;
	s1 =	sadd.s32 s1, s30  }
0xbd: {  	s0 =	sor.u32 s3, s0;
	s1 =	sshll.u32 s1, $0x11  }
0xbe: {  	s0 =	sor.u32 s1, s0  }
0xbf: {  	s0 =	sadd.s32 $0x8F2B, s0  }
0xc0: {  	[sflag:s0] =	ssyncadd.remote.s32 $0x1  }
0xc1: {  	_ =	sfence.sel $0xFFFF  }
0xc2: {  	[dreg:$0x0] =	wrdreg $0xFFFFFFFF;
	(pc) =	sbr.abs _section_cstart, $3  }
0xc3: {  	[dreg:$0x1] =	wrdreg $0xFFFFFFFF  }
0xc4: {  	_ =	task.clear_ibuf [dreg:s9], $0x2FFFF;
	_ =	strace $0x9FFFFFFF  }
0xc5: {  	(tm) =	ssettm $0x7FFFFFFF  }
tec
execute0_lowered:
.L_overlay_start_1:
0x0: {  	(tag) =	ssettag $0x1  }
0x1: {  	s3 =	rddreg [dreg:$0x0]  }
0x2: {  	s4 =	rddreg [dreg:$0x2]  }
0x3: {  	s0 =	srdreg.scid;
	s1 =	stileid.u32  }
0x4: {  	s5 =	simm.s32 $0x0;
	s18 =	simm.s32 $0x200;
	s19 =	simm.s32 $0x400  }
0x5: {  	s28 =	simm.s32 $0x6;
	s29 =	simm.s32 $0xA080;
	s30 =	simm.s32 $0x3  }
0x6: {  	s31 =	simm.s32 $0x7;
	s7 =	simm.s32 $0x0;
	s0 =	sand.u32 $0x1, s0  }
0x7: {  	s1 =	sshll.u32 s1, $0x11;
	[smem:$0x7FF] =	sst s5;
	s13 =	smov.u32 s3  }
0x8: {  	s12 =	sadd.s32 $0x40, s4;
	s14 =	sadd.s32 $0x800, s4;
	s2 =	sshll.u32 s0, $0x10  }
0x9: {  	s5 =	simm.s32 $0xE080;
	s0 =	ssub.s32 $0x2, s0;
	s6 =	sor.u32 s2, s1  }
0xa: {  	_ =	strace $0x80000047;
	s22 =	sshrl.u32 s0, $0x1;
	s2 =	sadd.s32 s3, s6  }
0xb: {  	s0 =	ssub.s32 s0, s22;
	s23 =	sadd.s32 $0x40, s2;
	[dreg:$0x4] =	wrdreg s2  }
0xc: {  	s10 =	sor.u32 $0x840, s6;
	s24 =	sadd.s32 $0x800, s2;
	[dreg:$0x5] =	wrdreg s23  }
0xd: {  	s3 =	simm.s32 $0x8;
	s25 =	sadd.s32 $0x1000, s2;
	[dreg:$0x6] =	wrdreg s24  }
0xe: {  	s26 =	sadd.s32 $0x1040, s2;
	s15 =	sadd.s32 $0x1800, s2;
	[dreg:$0x7] =	wrdreg s25  }
0xf: {  	s0 =	smax.u32 s0, $0x1;
	s2 =	simm.s32 $0x4;
	[dreg:$0x8] =	wrdreg s26  }
0x10: {  	[dreg:$0x9] =	wrdreg s0;
	s23 =	simm.s32 $0x6080;
	s24 =	simm.s32 $0x1  }
0x11: {  	s25 =	simm.s32 $0x8080;
	s26 =	simm.s32 $0x2;
	s0 =	simm.s32 $0xC080  }
.LBB2_1:
0x12: {  	[dreg:$0xa] =	wrdreg s7  }
0x13: {  	s1 =	rddreg [dreg:$0x1];
	s8 =	simm.s32 $0x0;
	s9 =	simm.s32 $0x9  }
0x14: {  	[tilespmem:s8], [sflag:$0x9] =	stream.linear.gather [hbm4b:s1+s8], $0x80, $0x38;
	[tilespmem:$0x10080] =	vst v63  }
0x15: {  	_ =	swait.ge [sflag:s9], $0x80  }
0x16: {  	[sflag:s9] =	ssyncset.done $0x0  }
0x17: {  	[sflag:s9] =	ssyncadd.s32 $0xFFFFFF80  }
0x18: {  	s16 =	simm.s32 $0x80;
	s11 =	rddreg [dreg:$0x4];
	v0 =	vld [tilespmem:$0x0]  }
0x19: {  	v1 =	vld [tilespmem:$0x10];
	[tilespmem:s16], [sflag:$0x1] =	stream.strided.gather [hbm4b:s11+s18], $0x2000, s19, s18, $0x38  }
0x1a: {  	s20 =	simm.s32 $0x2080;
	s17 =	rddreg [dreg:$0x5]  }
0x1b: {  	[tilespmem:s20], [sflag:$0x2] =	stream.strided.gather [hbm4b:s17+s18], $0x2000, s19, s18, $0x38;
	[tilespmem:$0x10080] =	vst v63  }
0x1c: {  	s22 =	simm.s32 $0x4080;
	s21 =	rddreg [dreg:$0x6];
	s16 =	simm.s32 $0x0  }
0x1d: {  	[tilespmem:s22], [sflag:$0x3] =	stream.strided.gather [hbm4b:s21+s18], $0x2000, s19, s18, $0x38;
	[tilespmem:$0x10080] =	vst v63  }
.LBB2_2:
0x1e: {  	s17 =	sshll.u32 s16, $0xC  }
0x1f: {  	s7 =	sadd.s32 s10, s17  }
0x20: {  	s1 =	sadd.s32 s13, s7  }
0x21: {  	[tilespmem:s23], [sflag:$0x4] =	stream.strided.gather [hbm4b:s1+s18], $0x2000, s19, s18, $0x38;
	[tilespmem:$0x10080] =	vst v63  }
0x22: {  	_ =	swait.ge [sflag:s24], $0x2000  }
0x23: {  	p0 =	seq.s32 s16, $0x0;
	[sflag:s24] =	ssyncset.done $0x0  }
0x24: {  	s1 =	simm.s32 @!p0 $0x5;
	[sflag:s24] =	ssyncadd.s32 $0xFFFFE000  }
0x25: {  	_ =	swait.ge @!p0 [sflag:s1], $0x2000  }
0x26: {  	s9 =	simm.s32 $0x0;
	s22 =	simm.s32 $0x80C0;
	[sflag:s1] =	ssyncset.done @!p0 $0x0  }
0x27: {  	s21 =	simm.s32 $0xC0;
	s8 =	sor.u32 s6, s17;
	[sflag:s1] =	ssyncadd.s32 @!p0 $0xFFFFE000  }
.LBB2_3:
0x28: {  	v5 =	vld [tilespmem:s21+$0x30]  }
0x29: {  	v6 =	vld [tilespmem:s21+$0xFFFFFFD0]  }
0x2a: {  	v10 =	vld [tilespmem:s21+$0xFFFFFFE0]  }
0x2b: {  	v16 =	vld [tilespmem:s21+$0xFFFFFFF0]  }
0x2c: {  	v4 =	vld [tilespmem:s21+$0x0]  }
0x2d: {  	v3 =	vld [tilespmem:s21+$0x10];
	vm1 =	vlt.s32 v5, $0x1F  }
0x2e: {  	vm2 =	vlt.s32 v6, $0x1F;
	vm0 =	vgt.s32 v6, $0xF;
	vm3 =	vgt.s32 v5, $0xF  }
0x2f: {  	v2 =	vld [tilespmem:s21+$0x20];
	v7 =	vnsel vm1, $0x1F, v5;
	v6 =	vnsel vm2, $0x1F, v6;
	vm1 =	vlt.s32 v10, $0x1F  }
0x30: {  	v9 =	vld [tilespmem:s21+$0xFFFFFFC0];
	vm2 =	vlt.s32 v16, $0x1F;
	v7 =	vand.u32 $0xF, v7;
	v11 =	vnsel vm1, $0x1F, v10  }
0x31: {  	vm1 =	vlt.s32 v4, $0x1F;
	v8 =	vperm.xlane v0, v7;
	v7 =	vperm.xlane v1, v7  }
0x32: {  	v5 =	vnsel vm2, $0x1F, v16;
	vm2 =	vlt.s32 v3, $0x1F;
	v12 =	vand.u32 $0xF, v6  }
0x33: {  	v11 =	vand.u32 $0xF, v11;
	v17 =	vand.u32 $0xF, v5;
	v15 =	vsel vm3, v7, v8  }
0x34: {  	v7 =	vnsel vm1, $0x1F, v4;
	v8 =	vnsel vm2, $0x1F, v3;
	vm1 =	vlt.s32 v2, $0x1F  }
0x35: {  	vm2 =	vlt.s32 v9, $0x1F;
	vm3 =	vgt.s32 v16, $0xF;
	v14 =	vnsel vm1, $0x1F, v2  }
0x36: {  	v6 =	vnsel vm2, $0x1F, v9;
	v13 =	vand.u32 $0xF, v7;
	vm1 =	vgt.s32 v9, $0xF  }
0x37: {  	v9 =	vperm.xlane v0, v12;
	v12 =	vperm.xlane v1, v12;
	vm2 =	vgt.s32 v10, $0xF  }
0x38: {  	v10 =	vperm.xlane v0, v11;
	[tilespmem:s22+$0x30] =	vst v15;
	v15 =	vperm.xlane v1, v17;
	v5 =	vand.u32 $0xF, v6  }
0x39: {  	v6 =	vand.u32 $0xF, v8;
	v7 =	vperm.xlane v0, v5;
	v8 =	vperm.xlane v1, v5  }
0x3a: {  	s1 =	simm.s32 $0x0;
	s11 =	sadd.s32 $0x200, s21;
	s20 =	smov.u32 s22;
	v5 =	vand.u32 $0xF, v14;
	v14 =	vperm.xlane v1, v11;
	v11 =	vperm.xlane v0, v17  }
.LBB2_4:
0x3b: {  	v16 =	vld [tilespmem:s11+$0x30];
	s1 =	sadd.s32 $0x8, s1;
	v17 =	vperm.xlane v0, v13;
	v13 =	vperm.xlane v1, v13;
	vm4 =	vgt.s32 v4, $0xF  }
0x3c: {  	v19 =	vperm.xlane v0, v6;
	v6 =	vperm.xlane v1, v6;
	vm5 =	vgt.s32 v3, $0xF;
	v18 =	vld [tilespmem:s11+$0xFFFFFFD0];
	p1 =	slt.u32 s1, $0x78  }
0x3d: {  	v21 =	vperm.xlane v0, v5;
	v5 =	vperm.xlane v1, v5;
	vm6 =	vgt.s32 v2, $0xF;
	v20 =	vld [tilespmem:s11+$0xFFFFFFE0]  }
0x3e: {  	v2 =	vsel vm1, v8, v7;
	v7 =	vsel vm0, v12, v9;
	v8 =	vsel vm2, v14, v10;
	v22 =	vld [tilespmem:s11+$0xFFFFFFF0]  }
0x3f: {  	v9 =	vsel vm3, v15, v11;
	v10 =	vsel vm4, v13, v17;
	v6 =	vsel vm5, v6, v19;
	v4 =	vld [tilespmem:s11+$0x0];
	[tilespmem:s20+$0xFFFFFFC0] =	vst v2  }
0x40: {  	v5 =	vsel vm6, v5, v21;
	v3 =	vld [tilespmem:s11+$0x10];
	vm1 =	vlt.s32 v16, $0x1F;
	[tilespmem:s20+$0xFFFFFFD0] =	vst v7  }
0x41: {  	vm2 =	vlt.s32 v18, $0x1F;
	vm0 =	vgt.s32 v18, $0xF;
	v2 =	vld [tilespmem:s11+$0x20];
	v7 =	vnsel vm1, $0x1F, v16;
	[tilespmem:s20+$0xFFFFFFE0] =	vst v8  }
0x42: {  	v11 =	vld [tilespmem:s11+$0xFFFFFFC0];
	v8 =	vnsel vm2, $0x1F, v18;
	vm1 =	vlt.s32 v20, $0x1F;
	v7 =	vand.u32 $0xF, v7;
	[tilespmem:s20+$0xFFFFFFF0] =	vst v9  }
0x43: {  	vm2 =	vlt.s32 v22, $0x1F;
	v9 =	vperm.xlane v0, v7;
	v7 =	vperm.xlane v1, v7;
	[tilespmem:s20+$0x0] =	vst v10  }
0x44: {  	vm3 =	vgt.s32 v16, $0xF;
	v10 =	vnsel vm1, $0x1F, v20;
	vm1 =	vlt.s32 v4, $0x1F;
	[tilespmem:s20+$0x10] =	vst v6  }
0x45: {  	v6 =	vnsel vm2, $0x1F, v22;
	vm2 =	vlt.s32 v3, $0x1F;
	v7 =	vsel vm3, v7, v9;
	[tilespmem:s20+$0x20] =	vst v5;
	s20 =	sadd.s32 $0x200, s20  }
0x46: {  	v5 =	vnsel vm1, $0x1F, v4;
	v9 =	vnsel vm2, $0x1F, v3;
	vm1 =	vlt.s32 v2, $0x1F;
	[tilespmem:s20+$0x30] =	vst v7  }
0x47: {  	v12 =	vand.u32 $0xF, v8;
	vm2 =	vlt.s32 v11, $0x1F;
	v14 =	vnsel vm1, $0x1F, v2  }
0x48: {  	v15 =	vand.u32 $0xF, v10;
	v16 =	vand.u32 $0xF, v6;
	v7 =	vnsel vm2, $0x1F, v11  }
.Ltmp0:
0x49: {  	v13 =	vand.u32 $0xF, v5;
	v6 =	vand.u32 $0xF, v9;
	v8 =	vand.u32 $0xF, v7;
	(pc) =	sbr.rel @p1 .LBB2_4-.Ltmp0, $4  }
0x4a: {  	v5 =	vand.u32 $0xF, v14;
	v7 =	vperm.xlane v0, v8;
	v8 =	vperm.xlane v1, v8  }
0x4b: {  	vm1 =	vgt.s32 v11, $0xF;
	v9 =	vperm.xlane v0, v12;
	v12 =	vperm.xlane v1, v12  }
0x4c: {  	v10 =	vperm.xlane v0, v15;
	v14 =	vperm.xlane v1, v15;
	vm2 =	vgt.s32 v20, $0xF  }
0x4d: {  	s11 =	sadd.s32 $0x200, s11;
	vm3 =	vgt.s32 v22, $0xF;
	v11 =	vperm.xlane v0, v16;
	v15 =	vperm.xlane v1, v16  }
0x4e: {  	v7 =	vsel vm1, v8, v7  }
0x4f: {  	v57 =	vperm.xlane v0, v13;
	v58 =	vperm.xlane v1, v13;
	v9 =	vsel vm0, v12, v9;
	s9 =	sadd.s32 $0x1, s9;
	[tilespmem:s20+$0xFFFFFFC0] =	vst v7  }
0x50: {  	vm13 =	vgt.s32 v4, $0xF;
	v59 =	vperm.xlane v0, v6;
	v60 =	vsel vm2, v14, v10;
	[tilespmem:s20+$0xFFFFFFD0] =	vst v9;
	p1 =	sne.s32 s9, $0x4  }
.Ltmp1:
0x51: {  	v61 =	vperm.xlane v1, v6;
	vm14 =	vgt.s32 v3, $0xF;
	v3 =	vsel vm3, v15, v11;
	[tilespmem:s20+$0xFFFFFFE0] =	vst v60;
	(pc) =	sbr.rel @p1 .LBB2_3-.Ltmp1, $4  }
0x52: {  	v62 =	vperm.xlane v0, v5;
	v63 =	vperm.xlane v1, v5;
	v8 =	vsel vm13, v58, v57;
	[tilespmem:s20+$0xFFFFFFF0] =	vst v3  }
0x53: {  	vm15 =	vgt.s32 v2, $0xF;
	v2 =	vsel vm14, v61, v59;
	[tilespmem:s20+$0x0] =	vst v8  }
0x54: {  	v3 =	vsel vm15, v63, v62;
	[tilespmem:s20+$0x10] =	vst v2  }
0x55: {  	s22 =	sadd.s32 $0x80, s22;
	s21 =	sadd.s32 $0x80, s21;
	[tilespmem:s20+$0x20] =	vst v3  }
0x56: {  	p1 =	sne.s32 s16, $0xF  }
.Ltmp2:
0x57: {  	_ = 	snop;
	(pc) =	sbr.rel @p1 .LBB2_8-.Ltmp2, $3  }
0x58: {  	_ =	sdelay $0x1  }
0x59: {  	s1 =	sadd.s32 s4, s8  }
0x5a: {  	[hbm4b:s1+s18] =	stream.strided.scatter [tilespmem:s25], [sflag:$0x5], $0x2000, s19, s18, $0x38;
	[tilespmem:$0x10080] =	vst v63  }
.Ltmp3:
0x5b: {  	(pc) =	sbr.rel .LBB2_9-.Ltmp3, $4  }
0x5c: {  	_ = 	snop  }
0x5d: {  	_ =	swait.ge [sflag:s26], $0x2000  }
0x5e: {  	[sflag:s26] =	ssyncset.done $0x0  }
0x5f: {  	[sflag:s26] =	ssyncadd.s32 $0xFFFFE000  }
.LBB2_8:
0x60: {  	s1 =	rddreg [dreg:$0x7]  }
.Ltmp4:
0x61: {  	s9 =	simm.s32 $0x80;
	s1 =	sadd.s32 s17, s1;
	(pc) =	sbr.rel @p0 .LBB2_10-.Ltmp4, $4  }
0x62: {  	[tilespmem:s9], [sflag:$0x1] =	stream.strided.gather [hbm4b:s1+s18], $0x2000, s19, s18, $0x38;
	[tilespmem:$0x10080] =	vst v63  }
0x63: {  	_ =	swait.ge [sflag:s26], $0x2000  }
0x64: {  	[sflag:s26] =	ssyncset.done $0x0  }
0x65: {  	[sflag:s26] =	ssyncadd.s32 $0xFFFFE000  }
.LBB2_9:
0x66: {  	_ =	swait.ge [sflag:s28], $0x2000  }
0x67: {  	[sflag:s28] =	ssyncset.done $0x0  }
0x68: {  	[sflag:s28] =	ssyncadd.s32 $0xFFFFE000  }
.LBB2_10:
0x69: {  	s9 =	simm.s32 $0x0;
	s20 =	simm.s32 $0xA0F0;
	s21 =	simm.s32 $0x20F0  }
.LBB2_11:
0x6a: {  	v5 =	vld [tilespmem:s21+$0x0]  }
0x6b: {  	v6 =	vld [tilespmem:s21+$0xFFFFFFA0]  }
0x6c: {  	v10 =	vld [tilespmem:s21+$0xFFFFFFB0]  }
0x6d: {  	v16 =	vld [tilespmem:s21+$0xFFFFFFC0]  }
0x6e: {  	v4 =	vld [tilespmem:s21+$0xFFFFFFD0]  }
0x6f: {  	v3 =	vld [tilespmem:s21+$0xFFFFFFE0];
	vm1 =	vlt.s32 v5, $0x1F  }
0x70: {  	vm2 =	vlt.s32 v6, $0x1F;
	vm0 =	vgt.s32 v6, $0xF;
	vm3 =	vgt.s32 v5, $0xF  }
0x71: {  	v2 =	vld [tilespmem:s21+$0xFFFFFFF0];
	v7 =	vnsel vm1, $0x1F, v5;
	v6 =	vnsel vm2, $0x1F, v6;
	vm1 =	vlt.s32 v10, $0x1F  }
0x72: {  	v9 =	vld [tilespmem:s21+$0xFFFFFF90];
	vm2 =	vlt.s32 v16, $0x1F;
	v7 =	vand.u32 $0xF, v7;
	v11 =	vnsel vm1, $0x1F, v10  }
0x73: {  	vm1 =	vlt.s32 v4, $0x1F;
	v8 =	vperm.xlane v0, v7;
	v7 =	vperm.xlane v1, v7  }
0x74: {  	v5 =	vnsel vm2, $0x1F, v16;
	vm2 =	vlt.s32 v3, $0x1F;
	v12 =	vand.u32 $0xF, v6  }
0x75: {  	v11 =	vand.u32 $0xF, v11;
	v17 =	vand.u32 $0xF, v5;
	v15 =	vsel vm3, v7, v8  }
0x76: {  	v7 =	vnsel vm1, $0x1F, v4;
	v8 =	vnsel vm2, $0x1F, v3;
	vm1 =	vlt.s32 v2, $0x1F  }
0x77: {  	vm2 =	vlt.s32 v9, $0x1F;
	vm3 =	vgt.s32 v16, $0xF;
	v14 =	vnsel vm1, $0x1F, v2  }
0x78: {  	v6 =	vnsel vm2, $0x1F, v9;
	v13 =	vand.u32 $0xF, v7;
	vm1 =	vgt.s32 v9, $0xF  }
0x79: {  	v9 =	vperm.xlane v0, v12;
	v12 =	vperm.xlane v1, v12;
	vm2 =	vgt.s32 v10, $0xF  }
0x7a: {  	v10 =	vperm.xlane v0, v11;
	[tilespmem:s20+$0x0] =	vst v15;
	v15 =	vperm.xlane v1, v17;
	v5 =	vand.u32 $0xF, v6  }
0x7b: {  	v6 =	vand.u32 $0xF, v8;
	v7 =	vperm.xlane v0, v5;
	v8 =	vperm.xlane v1, v5  }
0x7c: {  	s1 =	simm.s32 $0x0;
	s11 =	sadd.s32 $0x200, s21;
	s22 =	smov.u32 s20;
	v5 =	vand.u32 $0xF, v14;
	v14 =	vperm.xlane v1, v11;
	v11 =	vperm.xlane v0, v17  }
.LBB2_12:
0x7d: {  	v16 =	vld [tilespmem:s11+$0x0];
	s1 =	sadd.s32 $0x8, s1;
	v17 =	vperm.xlane v0, v13;
	v13 =	vperm.xlane v1, v13;
	vm4 =	vgt.s32 v4, $0xF  }
0x7e: {  	v19 =	vperm.xlane v0, v6;
	v6 =	vperm.xlane v1, v6;
	vm5 =	vgt.s32 v3, $0xF;
	v18 =	vld [tilespmem:s11+$0xFFFFFFA0];
	p2 =	slt.u32 s1, $0x78  }
0x7f: {  	v21 =	vperm.xlane v0, v5;
	v5 =	vperm.xlane v1, v5;
	vm6 =	vgt.s32 v2, $0xF;
	v20 =	vld [tilespmem:s11+$0xFFFFFFB0]  }
0x80: {  	v2 =	vsel vm1, v8, v7;
	v7 =	vsel vm0, v12, v9;
	v8 =	vsel vm2, v14, v10;
	v22 =	vld [tilespmem:s11+$0xFFFFFFC0]  }
0x81: {  	v9 =	vsel vm3, v15, v11;
	v10 =	vsel vm4, v13, v17;
	v6 =	vsel vm5, v6, v19;
	v4 =	vld [tilespmem:s11+$0xFFFFFFD0];
	[tilespmem:s22+$0xFFFFFF90] =	vst v2  }
0x82: {  	v5 =	vsel vm6, v5, v21;
	v3 =	vld [tilespmem:s11+$0xFFFFFFE0];
	vm1 =	vlt.s32 v16, $0x1F;
	[tilespmem:s22+$0xFFFFFFA0] =	vst v7  }
0x83: {  	vm2 =	vlt.s32 v18, $0x1F;
	vm0 =	vgt.s32 v18, $0xF;
	v2 =	vld [tilespmem:s11+$0xFFFFFFF0];
	v7 =	vnsel vm1, $0x1F, v16;
	[tilespmem:s22+$0xFFFFFFB0] =	vst v8  }
0x84: {  	v11 =	vld [tilespmem:s11+$0xFFFFFF90];
	v8 =	vnsel vm2, $0x1F, v18;
	vm1 =	vlt.s32 v20, $0x1F;
	v7 =	vand.u32 $0xF, v7;
	[tilespmem:s22+$0xFFFFFFC0] =	vst v9  }
0x85: {  	vm2 =	vlt.s32 v22, $0x1F;
	v9 =	vperm.xlane v0, v7;
	v7 =	vperm.xlane v1, v7;
	[tilespmem:s22+$0xFFFFFFD0] =	vst v10  }
0x86: {  	vm3 =	vgt.s32 v16, $0xF;
	v10 =	vnsel vm1, $0x1F, v20;
	vm1 =	vlt.s32 v4, $0x1F;
	[tilespmem:s22+$0xFFFFFFE0] =	vst v6  }
0x87: {  	v6 =	vnsel vm2, $0x1F, v22;
	vm2 =	vlt.s32 v3, $0x1F;
	v7 =	vsel vm3, v7, v9;
	[tilespmem:s22+$0xFFFFFFF0] =	vst v5;
	s22 =	sadd.s32 $0x200, s22  }
0x88: {  	v5 =	vnsel vm1, $0x1F, v4;
	v9 =	vnsel vm2, $0x1F, v3;
	vm1 =	vlt.s32 v2, $0x1F;
	[tilespmem:s22+$0x0] =	vst v7  }
0x89: {  	v12 =	vand.u32 $0xF, v8;
	vm2 =	vlt.s32 v11, $0x1F;
	v14 =	vnsel vm1, $0x1F, v2  }
0x8a: {  	v15 =	vand.u32 $0xF, v10;
	v16 =	vand.u32 $0xF, v6;
	v7 =	vnsel vm2, $0x1F, v11  }
.Ltmp5:
0x8b: {  	v13 =	vand.u32 $0xF, v5;
	v6 =	vand.u32 $0xF, v9;
	v8 =	vand.u32 $0xF, v7;
	(pc) =	sbr.rel @p2 .LBB2_12-.Ltmp5, $4  }
0x8c: {  	v5 =	vand.u32 $0xF, v14;
	v7 =	vperm.xlane v0, v8;
	v8 =	vperm.xlane v1, v8  }
0x8d: {  	vm1 =	vgt.s32 v11, $0xF;
	v9 =	vperm.xlane v0, v12;
	v12 =	vperm.xlane v1, v12  }
0x8e: {  	v10 =	vperm.xlane v0, v15;
	v14 =	vperm.xlane v1, v15;
	vm2 =	vgt.s32 v20, $0xF  }
0x8f: {  	s11 =	sadd.s32 $0x200, s11;
	vm3 =	vgt.s32 v22, $0xF;
	v11 =	vperm.xlane v0, v16;
	v15 =	vperm.xlane v1, v16  }
0x90: {  	v7 =	vsel vm1, v8, v7  }
0x91: {  	v57 =	vperm.xlane v0, v13;
	v58 =	vperm.xlane v1, v13;
	v9 =	vsel vm0, v12, v9;
	s9 =	sadd.s32 $0x1, s9;
	[tilespmem:s22+$0xFFFFFF90] =	vst v7  }
0x92: {  	vm13 =	vgt.s32 v4, $0xF;
	v59 =	vperm.xlane v0, v6;
	v60 =	vsel vm2, v14, v10;
	[tilespmem:s22+$0xFFFFFFA0] =	vst v9;
	p2 =	sne.s32 s9, $0x4  }
.Ltmp6:
0x93: {  	v61 =	vperm.xlane v1, v6;
	vm14 =	vgt.s32 v3, $0xF;
	v3 =	vsel vm3, v15, v11;
	[tilespmem:s22+$0xFFFFFFB0] =	vst v60;
	(pc) =	sbr.rel @p2 .LBB2_11-.Ltmp6, $4  }
0x94: {  	v62 =	vperm.xlane v0, v5;
	v63 =	vperm.xlane v1, v5;
	v8 =	vsel vm13, v58, v57;
	[tilespmem:s22+$0xFFFFFFC0] =	vst v3  }
0x95: {  	vm15 =	vgt.s32 v2, $0xF;
	v2 =	vsel vm14, v61, v59;
	[tilespmem:s22+$0xFFFFFFD0] =	vst v8  }
0x96: {  	v3 =	vsel vm15, v63, v62;
	[tilespmem:s22+$0xFFFFFFE0] =	vst v2  }
0x97: {  	s20 =	sadd.s32 $0x80, s20;
	s21 =	sadd.s32 $0x80, s21;
	[tilespmem:s22+$0xFFFFFFF0] =	vst v3  }
.Ltmp7:
0x98: {  	(pc) =	sbr.rel @p1 .LBB2_16-.Ltmp7, $3  }
0x99: {  	_ =	sdelay $0x1  }
0x9a: {  	s1 =	sadd.s32 s8, s12  }
0x9b: {  	[hbm4b:s1+s18] =	stream.strided.scatter [tilespmem:s29], [sflag:$0x6], $0x2000, s19, s18, $0x38;
	[tilespmem:$0x10080] =	vst v63  }
.Ltmp8:
0x9c: {  	(pc) =	sbr.rel .LBB2_17-.Ltmp8, $4  }
0x9d: {  	_ = 	snop  }
0x9e: {  	_ =	swait.ge [sflag:s30], $0x2000  }
0x9f: {  	[sflag:s30] =	ssyncset.done $0x0  }
0xa0: {  	[sflag:s30] =	ssyncadd.s32 $0xFFFFE000  }
.LBB2_16:
0xa1: {  	s1 =	rddreg [dreg:$0x8]  }
.Ltmp9:
0xa2: {  	s9 =	simm.s32 $0x2080;
	s1 =	sadd.s32 s17, s1;
	(pc) =	sbr.rel @p0 .LBB2_18-.Ltmp9, $4  }
0xa3: {  	[tilespmem:s9], [sflag:$0x2] =	stream.strided.gather [hbm4b:s1+s18], $0x2000, s19, s18, $0x38;
	[tilespmem:$0x10080] =	vst v63  }
0xa4: {  	_ =	swait.ge [sflag:s30], $0x2000  }
0xa5: {  	[sflag:s30] =	ssyncset.done $0x0  }
0xa6: {  	[sflag:s30] =	ssyncadd.s32 $0xFFFFE000  }
.LBB2_17:
0xa7: {  	_ =	swait.ge [sflag:s31], $0x2000  }
0xa8: {  	[sflag:s31] =	ssyncset.done $0x0  }
0xa9: {  	[sflag:s31] =	ssyncadd.s32 $0xFFFFE000  }
.LBB2_18:
0xaa: {  	s9 =	simm.s32 $0x0;
	s20 =	simm.s32 $0x0  }
.LBB2_19:
0xab: {  	s21 =	sshra.s32 s9, $0x2  }
0xac: {  	v6 =	vld [tilespmem:s21+$0x40F0]  }
0xad: {  	v2 =	vld [tilespmem:s21+$0x4080]  }
0xae: {  	v10 =	vld [tilespmem:s21+$0x4090]  }
0xaf: {  	v16 =	vld [tilespmem:s21+$0x40A0]  }
0xb0: {  	v5 =	vld [tilespmem:s21+$0x40B0]  }
0xb1: {  	v3 =	vld [tilespmem:s21+$0x40C0];
	vm1 =	vlt.s32 v6, $0x1F  }
0xb2: {  	vm2 =	vlt.s32 v2, $0x1F;
	vm0 =	vgt.s32 v2, $0xF;
	vm3 =	vgt.s32 v6, $0xF  }
0xb3: {  	v4 =	vld [tilespmem:s21+$0x40D0];
	v7 =	vnsel vm1, $0x1F, v6;
	v8 =	vnsel vm2, $0x1F, v2;
	vm1 =	vlt.s32 v10, $0x1F  }
0xb4: {  	v2 =	vld [tilespmem:s21+$0x40E0];
	vm2 =	vlt.s32 v16, $0x1F;
	v7 =	vand.u32 $0xF, v7;
	v11 =	vnsel vm1, $0x1F, v10  }
0xb5: {  	vm1 =	vlt.s32 v5, $0x1F;
	v9 =	vperm.xlane v0, v7;
	v7 =	vperm.xlane v1, v7  }
0xb6: {  	v6 =	vnsel vm2, $0x1F, v16;
	vm2 =	vlt.s32 v3, $0x1F;
	v14 =	vand.u32 $0xF, v8  }
0xb7: {  	v11 =	vand.u32 $0xF, v11;
	v17 =	vand.u32 $0xF, v6;
	v13 =	vsel vm3, v7, v9  }
0xb8: {  	v7 =	vnsel vm1, $0x1F, v5;
	v9 =	vnsel vm2, $0x1F, v3;
	vm1 =	vlt.s32 v4, $0x1F  }
0xb9: {  	vm2 =	vgt.s32 v16, $0xF;
	v8 =	vnsel vm1, $0x1F, v4;
	vm1 =	vlt.s32 v2, $0x1F  }
0xba: {  	v15 =	vand.u32 $0xF, v7;
	v12 =	vand.u32 $0xF, v9;
	v9 =	vperm.xlane v1, v14  }
0xbb: {  	[tilespmem:s21+$0xC0F0] =	vst v13;
	v13 =	vperm.xlane v0, v17;
	v6 =	vnsel vm1, $0x1F, v2;
	v7 =	vand.u32 $0xF, v8  }
0xbc: {  	v8 =	vperm.xlane v0, v14;
	vm1 =	vgt.s32 v10, $0xF;
	v10 =	vperm.xlane v0, v11  }
0xbd: {  	s1 =	simm.s32 $0x0;
	s11 =	sadd.s32 $0x800, s9;
	v11 =	vperm.xlane v1, v11;
	v14 =	vperm.xlane v1, v17;
	v6 =	vand.u32 $0xF, v6  }
.LBB2_20:
0xbe: {  	s22 =	sshra.s32 s11, $0x2;
	s1 =	sadd.s32 $0x8, s1;
	v16 =	vperm.xlane v0, v15;
	v15 =	vperm.xlane v1, v15;
	vm3 =	vgt.s32 v5, $0xF  }
0xbf: {  	v18 =	vperm.xlane v0, v12;
	v12 =	vperm.xlane v1, v12;
	vm4 =	vgt.s32 v3, $0xF;
	v17 =	vld [tilespmem:s22+$0x40F0];
	p2 =	slt.u32 s1, $0x78  }
0xc0: {  	v3 =	vperm.xlane v0, v7;
	v7 =	vperm.xlane v1, v7;
	vm5 =	vgt.s32 v4, $0xF;
	v19 =	vld [tilespmem:s22+$0x4080]  }
0xc1: {  	v4 =	vperm.xlane v0, v6;
	v6 =	vperm.xlane v1, v6;
	vm6 =	vgt.s32 v2, $0xF;
	v20 =	vld [tilespmem:s22+$0x4090]  }
0xc2: {  	v2 =	vsel vm0, v9, v8;
	v8 =	vsel vm1, v11, v10;
	v9 =	vsel vm2, v14, v13;
	v21 =	vld [tilespmem:s22+$0x40A0]  }
0xc3: {  	v10 =	vsel vm3, v15, v16;
	v11 =	vsel vm4, v12, v18;
	v7 =	vsel vm5, v7, v3;
	v5 =	vld [tilespmem:s22+$0x40B0];
	[tilespmem:s21+$0xC080] =	vst v2  }
0xc4: {  	v6 =	vsel vm6, v6, v4;
	v3 =	vld [tilespmem:s22+$0x40C0];
	vm1 =	vlt.s32 v17, $0x1F;
	[tilespmem:s21+$0xC090] =	vst v8  }
0xc5: {  	vm2 =	vlt.s32 v19, $0x1F;
	vm0 =	vgt.s32 v19, $0xF;
	v4 =	vld [tilespmem:s22+$0x40D0];
	v8 =	vnsel vm1, $0x1F, v17;
	[tilespmem:s21+$0xC0A0] =	vst v9  }
0xc6: {  	v9 =	vnsel vm2, $0x1F, v19;
	vm1 =	vlt.s32 v20, $0x1F;
	v2 =	vld [tilespmem:s22+$0x40E0];
	v8 =	vand.u32 $0xF, v8;
	[tilespmem:s21+$0xC0B0] =	vst v10  }
0xc7: {  	vm2 =	vlt.s32 v21, $0x1F;
	v10 =	vperm.xlane v0, v8;
	v8 =	vperm.xlane v1, v8;
	[tilespmem:s21+$0xC0C0] =	vst v11  }
0xc8: {  	vm3 =	vgt.s32 v17, $0xF;
	v11 =	vnsel vm1, $0x1F, v20;
	vm1 =	vlt.s32 v5, $0x1F;
	[tilespmem:s21+$0xC0D0] =	vst v7  }
0xc9: {  	v7 =	vnsel vm2, $0x1F, v21;
	vm2 =	vlt.s32 v3, $0x1F;
	v8 =	vsel vm3, v8, v10;
	[tilespmem:s21+$0xC0E0] =	vst v6;
	s21 =	smov.u32 s22  }
0xca: {  	v6 =	vnsel vm1, $0x1F, v5;
	v10 =	vnsel vm2, $0x1F, v3;
	vm1 =	vlt.s32 v4, $0x1F;
	[tilespmem:s21+$0xC0F0] =	vst v8  }
0xcb: {  	v9 =	vand.u32 $0xF, v9;
	v8 =	vnsel vm1, $0x1F, v4;
	vm1 =	vlt.s32 v2, $0x1F  }
.Ltmp10:
0xcc: {  	v11 =	vand.u32 $0xF, v11;
	v14 =	vand.u32 $0xF, v7;
	v13 =	vnsel vm1, $0x1F, v2;
	(pc) =	sbr.rel @p2 .LBB2_20-.Ltmp10, $4  }
0xcd: {  	v15 =	vand.u32 $0xF, v6;
	v12 =	vand.u32 $0xF, v10;
	v7 =	vand.u32 $0xF, v8  }
0xce: {  	v8 =	vperm.xlane v0, v9;
	v9 =	vperm.xlane v1, v9;
	v6 =	vand.u32 $0xF, v13  }
0xcf: {  	v10 =	vperm.xlane v0, v11;
	v11 =	vperm.xlane v1, v11;
	vm1 =	vgt.s32 v20, $0xF  }
0xd0: {  	s11 =	sadd.s32 $0x800, s11;
	vm2 =	vgt.s32 v21, $0xF;
	v13 =	vperm.xlane v0, v14;
	v14 =	vperm.xlane v1, v14  }
0xd1: {  	v16 =	vperm.xlane v0, v15  }
0xd2: {  	v55 =	vperm.xlane v1, v15;
	vm3 =	vgt.s32 v5, $0xF;
	v56 =	vsel vm0, v9, v8  }
0xd3: {  	v57 =	vperm.xlane v0, v12;
	v58 =	vperm.xlane v1, v12;
	v10 =	vsel vm1, v11, v10;
	s20 =	sadd.s32 $0x1, s20;
	[tilespmem:s21+$0xC080] =	vst v56  }
0xd4: {  	vm13 =	vgt.s32 v3, $0xF;
	v3 =	vperm.xlane v0, v7;
	v59 =	vsel vm2, v14, v13;
	[tilespmem:s21+$0xC090] =	vst v10;
	p2 =	sne.s32 s20, $0x4  }
.Ltmp11:
0xd5: {  	v60 =	vperm.xlane v1, v7;
	vm14 =	vgt.s32 v4, $0xF;
	v61 =	vsel vm3, v55, v16;
	[tilespmem:s21+$0xC0A0] =	vst v59;
	(pc) =	sbr.rel @p2 .LBB2_19-.Ltmp11, $4  }
0xd6: {  	v62 =	vperm.xlane v0, v6;
	v63 =	vperm.xlane v1, v6;
	v8 =	vsel vm13, v58, v57;
	[tilespmem:s21+$0xC0B0] =	vst v61  }
0xd7: {  	vm15 =	vgt.s32 v2, $0xF;
	v2 =	vsel vm14, v60, v3;
	[tilespmem:s21+$0xC0C0] =	vst v8  }
0xd8: {  	v3 =	vsel vm15, v63, v62;
	[tilespmem:s21+$0xC0D0] =	vst v2  }
0xd9: {  	s9 =	sadd.s32 $0x200, s9;
	[tilespmem:s21+$0xC0E0] =	vst v3  }
.Ltmp12:
0xda: {  	(pc) =	sbr.rel @p1 .LBB2_24-.Ltmp12, $3  }
0xdb: {  	_ =	sdelay $0x1  }
0xdc: {  	s1 =	sadd.s32 s8, s14  }
0xdd: {  	[hbm4b:s1+s18] =	stream.strided.scatter [tilespmem:s0], [sflag:$0x7], $0x2000, s19, s18, $0x38;
	[tilespmem:$0x10080] =	vst v63  }
.Ltmp13:
0xde: {  	(pc) =	sbr.rel .LBB2_25-.Ltmp13, $4  }
0xdf: {  	_ = 	snop  }
0xe0: {  	_ =	swait.ge [sflag:s2], $0x2000  }
0xe1: {  	[sflag:s2] =	ssyncset.done $0x0  }
0xe2: {  	[sflag:s2] =	ssyncadd.s32 $0xFFFFE000  }
.LBB2_24:
.Ltmp14:
0xe3: {  	s1 =	sadd.s32 s17, s15;
	s8 =	simm.s32 $0x4080;
	(pc) =	sbr.rel @p0 .LBB2_26-.Ltmp14, $4  }
0xe4: {  	[tilespmem:s8], [sflag:$0x3] =	stream.strided.gather [hbm4b:s1+s18], $0x2000, s19, s18, $0x38;
	[tilespmem:$0x10080] =	vst v63  }
0xe5: {  	_ =	swait.ge [sflag:s2], $0x2000  }
0xe6: {  	[sflag:s2] =	ssyncset.done $0x0  }
0xe7: {  	[sflag:s2] =	ssyncadd.s32 $0xFFFFE000  }
.LBB2_25:
0xe8: {  	_ =	swait.ge [sflag:s3], $0x2000  }
0xe9: {  	[sflag:s3] =	ssyncset.done $0x0  }
0xea: {  	[sflag:s3] =	ssyncadd.s32 $0xFFFFE000  }
.LBB2_26:
0xeb: {  	s8 =	simm.s32 $0x0;
	s9 =	simm.s32 $0x0  }
.LBB2_27:
0xec: {  	s17 =	sshra.s32 s8, $0x2  }
0xed: {  	v6 =	vld [tilespmem:s17+$0x60F0]  }
0xee: {  	v2 =	vld [tilespmem:s17+$0x6080]  }
0xef: {  	v10 =	vld [tilespmem:s17+$0x6090]  }
0xf0: {  	v16 =	vld [tilespmem:s17+$0x60A0]  }
0xf1: {  	v5 =	vld [tilespmem:s17+$0x60B0]  }
0xf2: {  	v3 =	vld [tilespmem:s17+$0x60C0];
	vm1 =	vlt.s32 v6, $0x1F  }
0xf3: {  	vm2 =	vlt.s32 v2, $0x1F;
	vm0 =	vgt.s32 v2, $0xF;
	vm3 =	vgt.s32 v6, $0xF  }
0xf4: {  	v4 =	vld [tilespmem:s17+$0x60D0];
	v7 =	vnsel vm1, $0x1F, v6;
	v8 =	vnsel vm2, $0x1F, v2;
	vm1 =	vlt.s32 v10, $0x1F  }
0xf5: {  	v2 =	vld [tilespmem:s17+$0x60E0];
	vm2 =	vlt.s32 v16, $0x1F;
	v7 =	vand.u32 $0xF, v7;
	v11 =	vnsel vm1, $0x1F, v10  }
0xf6: {  	vm1 =	vlt.s32 v5, $0x1F;
	v9 =	vperm.xlane v0, v7;
	v7 =	vperm.xlane v1, v7  }
0xf7: {  	v6 =	vnsel vm2, $0x1F, v16;
	vm2 =	vlt.s32 v3, $0x1F;
	v14 =	vand.u32 $0xF, v8  }
0xf8: {  	v11 =	vand.u32 $0xF, v11;
	v17 =	vand.u32 $0xF, v6;
	v13 =	vsel vm3, v7, v9  }
0xf9: {  	v7 =	vnsel vm1, $0x1F, v5;
	v9 =	vnsel vm2, $0x1F, v3;
	vm1 =	vlt.s32 v4, $0x1F  }
0xfa: {  	vm2 =	vgt.s32 v16, $0xF;
	v8 =	vnsel vm1, $0x1F, v4;
	vm1 =	vlt.s32 v2, $0x1F  }
0xfb: {  	v15 =	vand.u32 $0xF, v7;
	v12 =	vand.u32 $0xF, v9;
	v9 =	vperm.xlane v1, v14  }
0xfc: {  	[tilespmem:s17+$0xE0F0] =	vst v13;
	v13 =	vperm.xlane v0, v17;
	v6 =	vnsel vm1, $0x1F, v2;
	v7 =	vand.u32 $0xF, v8  }
0xfd: {  	v8 =	vperm.xlane v0, v14;
	vm1 =	vgt.s32 v10, $0xF;
	v10 =	vperm.xlane v0, v11  }
0xfe: {  	s1 =	simm.s32 $0x0;
	s11 =	sadd.s32 $0x800, s8;
	v11 =	vperm.xlane v1, v11;
	v14 =	vperm.xlane v1, v17;
	v6 =	vand.u32 $0xF, v6  }
.LBB2_28:
0xff: {  	s20 =	sshra.s32 s11, $0x2;
	s1 =	sadd.s32 $0x8, s1;
	v16 =	vperm.xlane v0, v15;
	v15 =	vperm.xlane v1, v15;
	vm3 =	vgt.s32 v5, $0xF  }
0x100: {  	v18 =	vperm.xlane v0, v12;
	v12 =	vperm.xlane v1, v12;
	vm4 =	vgt.s32 v3, $0xF;
	v17 =	vld [tilespmem:s20+$0x60F0];
	p0 =	slt.u32 s1, $0x78  }
0x101: {  	v3 =	vperm.xlane v0, v7;
	v7 =	vperm.xlane v1, v7;
	vm5 =	vgt.s32 v4, $0xF;
	v19 =	vld [tilespmem:s20+$0x6080]  }
0x102: {  	v4 =	vperm.xlane v0, v6;
	v6 =	vperm.xlane v1, v6;
	vm6 =	vgt.s32 v2, $0xF;
	v20 =	vld [tilespmem:s20+$0x6090]  }
0x103: {  	v2 =	vsel vm0, v9, v8;
	v8 =	vsel vm1, v11, v10;
	v9 =	vsel vm2, v14, v13;
	v21 =	vld [tilespmem:s20+$0x60A0]  }
0x104: {  	v10 =	vsel vm3, v15, v16;
	v11 =	vsel vm4, v12, v18;
	v7 =	vsel vm5, v7, v3;
	v5 =	vld [tilespmem:s20+$0x60B0];
	[tilespmem:s17+$0xE080] =	vst v2  }
0x105: {  	v6 =	vsel vm6, v6, v4;
	v3 =	vld [tilespmem:s20+$0x60C0];
	vm1 =	vlt.s32 v17, $0x1F;
	[tilespmem:s17+$0xE090] =	vst v8  }
0x106: {  	vm2 =	vlt.s32 v19, $0x1F;
	vm0 =	vgt.s32 v19, $0xF;
	v4 =	vld [tilespmem:s20+$0x60D0];
	v8 =	vnsel vm1, $0x1F, v17;
	[tilespmem:s17+$0xE0A0] =	vst v9  }
0x107: {  	v9 =	vnsel vm2, $0x1F, v19;
	vm1 =	vlt.s32 v20, $0x1F;
	v2 =	vld [tilespmem:s20+$0x60E0];
	v8 =	vand.u32 $0xF, v8;
	[tilespmem:s17+$0xE0B0] =	vst v10  }
0x108: {  	vm2 =	vlt.s32 v21, $0x1F;
	v10 =	vperm.xlane v0, v8;
	v8 =	vperm.xlane v1, v8;
	[tilespmem:s17+$0xE0C0] =	vst v11  }
0x109: {  	vm3 =	vgt.s32 v17, $0xF;
	v11 =	vnsel vm1, $0x1F, v20;
	vm1 =	vlt.s32 v5, $0x1F;
	[tilespmem:s17+$0xE0D0] =	vst v7  }
0x10a: {  	v7 =	vnsel vm2, $0x1F, v21;
	vm2 =	vlt.s32 v3, $0x1F;
	v8 =	vsel vm3, v8, v10;
	[tilespmem:s17+$0xE0E0] =	vst v6;
	s17 =	smov.u32 s20  }
0x10b: {  	v6 =	vnsel vm1, $0x1F, v5;
	v10 =	vnsel vm2, $0x1F, v3;
	vm1 =	vlt.s32 v4, $0x1F;
	[tilespmem:s17+$0xE0F0] =	vst v8  }
0x10c: {  	v9 =	vand.u32 $0xF, v9;
	v8 =	vnsel vm1, $0x1F, v4;
	vm1 =	vlt.s32 v2, $0x1F  }
.Ltmp15:
0x10d: {  	v11 =	vand.u32 $0xF, v11;
	v14 =	vand.u32 $0xF, v7;
	v13 =	vnsel vm1, $0x1F, v2;
	(pc) =	sbr.rel @p0 .LBB2_28-.Ltmp15, $4  }
0x10e: {  	v15 =	vand.u32 $0xF, v6;
	v12 =	vand.u32 $0xF, v10;
	v7 =	vand.u32 $0xF, v8  }
0x10f: {  	v8 =	vperm.xlane v0, v9;
	v9 =	vperm.xlane v1, v9;
	v6 =	vand.u32 $0xF, v13  }
0x110: {  	v10 =	vperm.xlane v0, v11;
	v11 =	vperm.xlane v1, v11;
	vm1 =	vgt.s32 v20, $0xF  }
0x111: {  	s11 =	sadd.s32 $0x800, s11;
	vm2 =	vgt.s32 v21, $0xF;
	v13 =	vperm.xlane v0, v14;
	v14 =	vperm.xlane v1, v14  }
0x112: {  	v16 =	vperm.xlane v0, v15  }
0x113: {  	v55 =	vperm.xlane v1, v15;
	vm3 =	vgt.s32 v5, $0xF;
	v56 =	vsel vm0, v9, v8  }
0x114: {  	v57 =	vperm.xlane v0, v12;
	v58 =	vperm.xlane v1, v12;
	v10 =	vsel vm1, v11, v10;
	s9 =	sadd.s32 $0x1, s9;
	[tilespmem:s17+$0xE080] =	vst v56  }
0x115: {  	vm13 =	vgt.s32 v3, $0xF;
	v3 =	vperm.xlane v0, v7;
	v59 =	vsel vm2, v14, v13;
	[tilespmem:s17+$0xE090] =	vst v10;
	p0 =	sne.s32 s9, $0x4  }
.Ltmp16:
0x116: {  	v60 =	vperm.xlane v1, v7;
	vm14 =	vgt.s32 v4, $0xF;
	v61 =	vsel vm3, v55, v16;
	[tilespmem:s17+$0xE0A0] =	vst v59;
	(pc) =	sbr.rel @p0 .LBB2_27-.Ltmp16, $4  }
0x117: {  	v62 =	vperm.xlane v0, v6;
	v63 =	vperm.xlane v1, v6;
	v8 =	vsel vm13, v58, v57;
	[tilespmem:s17+$0xE0B0] =	vst v61  }
0x118: {  	vm15 =	vgt.s32 v2, $0xF;
	v2 =	vsel vm14, v60, v3;
	[tilespmem:s17+$0xE0C0] =	vst v8  }
0x119: {  	v3 =	vsel vm15, v63, v62;
	[tilespmem:s17+$0xE0D0] =	vst v2  }
0x11a: {  	s8 =	sadd.s32 $0x200, s8;
	[tilespmem:s17+$0xE0E0] =	vst v3  }
0x11b: {  	s16 =	sadd.s32 $0x1, s16  }
0x11c: {  	p0 =	sne.s32 s16, $0x10  }
.Ltmp17:
0x11d: {  	_ = 	snop;
	(pc) =	sbr.rel @p0 .LBB2_2-.Ltmp17, $3  }
0x11e: {  	_ =	sdelay $0x1  }
0x11f: {  	s1 =	sadd.s32 s4, s7  }
0x120: {  	[hbm4b:s1+s18] =	stream.strided.scatter [tilespmem:s5], [sflag:$0x8], $0x2000, s19, s18, $0x38;
	[tilespmem:$0x10080] =	vst v63  }
0x121: {  	s1 =	simm.s32 $0x5  }
0x122: {  	_ =	swait.ge [sflag:s1], $0x2000  }
0x123: {  	[sflag:s1] =	ssyncset.done $0x0  }
0x124: {  	[sflag:s1] =	ssyncadd.s32 $0xFFFFE000  }
0x125: {  	_ =	swait.ge [sflag:s28], $0x2000  }
0x126: {  	[sflag:s28] =	ssyncset.done $0x0  }
0x127: {  	[sflag:s28] =	ssyncadd.s32 $0xFFFFE000  }
0x128: {  	_ =	swait.ge [sflag:s31], $0x2000  }
0x129: {  	[sflag:s31] =	ssyncset.done $0x0  }
0x12a: {  	[sflag:s31] =	ssyncadd.s32 $0xFFFFE000  }
0x12b: {  	_ =	swait.ge [sflag:s3], $0x2000  }
0x12c: {  	s7 =	rddreg [dreg:$0xa]  }
0x12d: {  	s22 =	rddreg [dreg:$0x9];
	s7 =	sadd.s32 $0x1, s7  }
0x12e: {  	p0 =	sne.s32 s7, s22  }
.Ltmp18:
0x12f: {  	_ = 	snop;
	(pc) =	sbr.rel @p0 .LBB2_1-.Ltmp18, $3  }
0x130: {  	_ =	sdelay $0x1  }
0x131: {  	[sflag:s3] =	ssyncset.done $0x0  }
0x132: {  	[sflag:s3] =	ssyncadd.s32 $0xFFFFE000  }
0x133: {  	_ =	sfence.sel $0x180000  }
0x134: {  	[bflag:$0x0] =	sbarrier.arrive $0xFFFF  }
0x135: {  	_ =	strace $0x90000047  }
0x136: {  	s0 =	stileid.u32;
	[bflag:$0x2] =	sbarrier.arrive $0xFFFF  }
0x137: {  	p0 =	sne.s32 s0, $0x0;
	s0 =	rddreg [dreg:$0x3]  }
0x138: {  	s0 =	sadd.s32 @!p0 $0x100000, s0  }
0x139: {  	[sflag:s0] =	ssyncadd.tile.s32 @!p0 $0x1;
	_ =	shalt  }
.Lfunc_end2:
_tile_overlayer_lowered:
.L_overlay_start_2:
0x13a: {  	(tag) =	ssettag $0x2  }
0x13b: {  	s0 =	rddreg [dreg:$0x0];
	s2 =	stileid.u32  }
0x13c: {  	s1 =	rddreg [dreg:$0x1];
	p0 =	sne.s32 s2, $0x0  }
0x13d: {  	s3 =	rddreg [dreg:$0x2];
	[bflag:$0x3] =	sbarrier.arrive $0xFFFF;
	s2 =	simm.s32 @!p0 $0x1C09  }
0x13e: {  	[timem:s3], [sflag:s2] =	dma.local @!p0 [hbm:s0], s1  }
0x13f: {  	s0 =	simm.s32 @!p0 $0x9  }
0x140: {  	_ =	swait.ge @!p0 [sflag:s0], s1  }
0x141: {  	s1 =	ssub.s32 @!p0 $0x0, s1;
	[sflag:s0] =	ssyncset.done @!p0 $0x0  }
0x142: {  	[sflag:s0] =	ssyncadd.s32 @!p0 s1  }
0x143: {  	[bflag:$0x3] =	sbarrier.arrive $0xFFFF  }
0x144: {  	_ =	shalt  }

</sc_bundles>
